<compile_context>
chip_gen: v7x
topology: tpu7x:2x2x1
jax: 0.10.2.dev20260603
libtpu: 0.0.44.dev20260713+nightly
codegen_flags: <defaults>
</compile_context>

<pallas_src>
import functools

import jax
import jax.numpy as jnp
from jax import lax
from jax.experimental import pallas as pl
from jax.experimental.pallas import tpu as pltpu
from jax.experimental.pallas import tpu_sc as plsc

_TOPK = 8
_NUM_DRAFT = 48
_NEG_INF = float("-inf")
_BIG_I32 = 2**30
_W = 800


def _stats_body(K, S, x_ref, sm_ref, m0_ref, lse_ref):
    x = x_ref[0]
    pieces = []
    for s in range(S):
        xq = x[:, s * _W:(s + 1) * _W]
        pieces.append(jnp.max(xq, axis=1, keepdims=True))
    sm = jnp.concatenate(pieces, axis=1)
    m0 = jnp.max(sm, axis=1, keepdims=True)
    lse = jnp.log(jnp.sum(jnp.exp(x - m0), axis=1, keepdims=True))
    sm_ref[0] = sm
    m0_ref[0] = m0
    lse_ref[0] = lse


def _strip_select_body(S, sm_ref, voff_ref, flat_ref):
    sm = sm_ref[...]
    R = sm.shape[0]
    lane_s = lax.broadcasted_iota(jnp.int32, (R, S), 1)
    voff = lane_s * _W
    lane_k = lax.broadcasted_iota(jnp.int32, (R, _TOPK), 1)
    keep = jnp.zeros((R, S), jnp.bool_)
    for _ in range(_TOPK):
        m = jnp.max(sm, axis=1, keepdims=True)
        vsel = jnp.min(jnp.where(sm == m, voff, _BIG_I32), axis=1,
                       keepdims=True)
        hit = voff == vsel
        keep = jnp.logical_or(keep, hit)
        sm = jnp.where(hit, _NEG_INF, sm)
    voffs = jnp.zeros((R, _TOPK), jnp.int32)
    for k in range(_TOPK):
        vo_k = jnp.min(jnp.where(keep, voff, _BIG_I32), axis=1,
                       keepdims=True)
        keep = jnp.logical_and(keep, voff != vo_k)
        voffs = jnp.where(lane_k == k, vo_k, voffs)
    voff_ref[...] = voffs
    row_iota = lax.broadcasted_iota(jnp.int32, (R, _TOPK), 0)
    flat_ref[...] = row_iota * S + voffs // _W


def _make_sc_gather(n_idx, W, n_workers):
    chunk = n_idx // n_workers
    mesh = plsc.VectorSubcoreMesh(core_axis_name="c", subcore_axis_name="s")

    @functools.partial(
        pl.kernel,
        mesh=mesh,
        compiler_params=pltpu.CompilerParams(use_tc_tiling_on_sc=False),
        out_type=jax.ShapeDtypeStruct((n_idx, W), jnp.float32),
        scratch_types=[
            pltpu.VMEM((chunk,), jnp.int32),
            pltpu.VMEM((chunk, W), jnp.float32),
            pltpu.SemaphoreType.DMA,
        ],
    )
    def gather_sc(idx_hbm, table_hbm, out_hbm, idx_v, rows_v, sem):
        info = plsc.get_sparse_core_info()
        wid = lax.axis_index("s") * info.num_cores + lax.axis_index("c")
        base = wid * chunk
        pltpu.sync_copy(idx_hbm.at[pl.ds(base, chunk)], idx_v)
        pltpu.async_copy(table_hbm.at[idx_v], rows_v, sem).wait()
        pltpu.sync_copy(rows_v, out_hbm.at[pl.ds(base, chunk)])

    return gather_sc


def _row_topk_body(W, g_ref, voff_ref, m0_ref, lse_ref, scores_ref,
                   tokens_ref):
    g = g_ref[...]
    voffs = voff_ref[...]
    RB = g.shape[0]
    lane = lax.broadcasted_iota(jnp.int32, (1, 1, W), 2)
    gi = voffs[:, :, None] + lane
    lane_k = lax.broadcasted_iota(jnp.int32, (RB, _TOPK), 1)
    vals = jnp.zeros((RB, _TOPK), jnp.float32)
    toks = jnp.zeros((RB, _TOPK), jnp.int32)
    for i in range(_TOPK):
        m = jnp.max(g, axis=(1, 2), keepdims=True)
        jv = jnp.min(jnp.where(g == m, gi, _BIG_I32), axis=(1, 2),
                     keepdims=True)
        vals = jnp.where(lane_k == i, m[:, 0, :], vals)
        toks = jnp.where(lane_k == i, jv[:, 0, :], toks)
        g = jnp.where(gi == jv, _NEG_INF, g)
    scores_ref[...] = (vals - m0_ref[...]) - lse_ref[...]
    tokens_ref[...] = toks


def _merge_body(KK, scores_ref, tokens_ref, prev_ref, out_s_ref, out_t_ref):
    cum = scores_ref[...] + prev_ref[...]
    toks = tokens_ref[...]
    B = cum.shape[0]
    lane_kk = lax.broadcasted_iota(jnp.int32, (B, KK), 1)
    lane_t = lax.broadcasted_iota(jnp.int32, (B, _NUM_DRAFT), 1)

    def body(i, carry):
        cum, outv, outt = carry
        m = jnp.max(cum, axis=1, keepdims=True)
        jsel = jnp.min(jnp.where(cum == m, lane_kk, _BIG_I32), axis=1,
                       keepdims=True)
        tok = jnp.min(jnp.where(lane_kk == jsel, toks, _BIG_I32), axis=1,
                      keepdims=True)
        outv = jnp.where(lane_t == i, m, outv)
        outt = jnp.where(lane_t == i, tok, outt)
        cum = jnp.where(lane_kk == jsel, _NEG_INF, cum)
        return cum, outv, outt

    outv = jnp.zeros((B, _NUM_DRAFT), jnp.float32)
    outt = jnp.zeros((B, _NUM_DRAFT), jnp.int32)
    _, outv, outt = lax.fori_loop(0, _NUM_DRAFT, body, (cum, outv, outt))
    out_s_ref[...] = outv
    out_t_ref[...] = outt


def kernel(logits, prev_scores):
    B, K, V = logits.shape
    S = V // _W
    R = B * K

    x4 = logits
    sm, m0, lse = pl.pallas_call(
        functools.partial(_stats_body, K, S),
        grid=(B,),
        in_specs=[pl.BlockSpec((1, K, V), lambda i: (i, 0, 0))],
        out_specs=[
            pl.BlockSpec((1, K, S), lambda i: (i, 0, 0)),
            pl.BlockSpec((1, K, 1), lambda i: (i, 0, 0)),
            pl.BlockSpec((1, K, 1), lambda i: (i, 0, 0)),
        ],
        out_shape=[
            jax.ShapeDtypeStruct((B, K, S), jnp.float32),
            jax.ShapeDtypeStruct((B, K, 1), jnp.float32),
            jax.ShapeDtypeStruct((B, K, 1), jnp.float32),
        ],
    )(x4)

    voffs, flat_ids = pl.pallas_call(
        functools.partial(_strip_select_body, S),
        out_shape=[
            jax.ShapeDtypeStruct((R, _TOPK), jnp.int32),
            jax.ShapeDtypeStruct((R, _TOPK), jnp.int32),
        ],
    )(sm.reshape(R, S))

    n_idx = R * _TOPK
    gathered = _make_sc_gather(n_idx, _W, 32)(
        flat_ids.reshape(n_idx), logits.reshape(R * S, _W))

    RB = min(64, R)
    scores, tokens = pl.pallas_call(
        functools.partial(_row_topk_body, _W),
        grid=(R // RB,),
        in_specs=[
            pl.BlockSpec((RB, _TOPK, _W), lambda i: (i, 0, 0)),
            pl.BlockSpec((RB, _TOPK), lambda i: (i, 0)),
            pl.BlockSpec((RB, 1), lambda i: (i, 0)),
            pl.BlockSpec((RB, 1), lambda i: (i, 0)),
        ],
        out_specs=[
            pl.BlockSpec((RB, _TOPK), lambda i: (i, 0)),
            pl.BlockSpec((RB, _TOPK), lambda i: (i, 0)),
        ],
        out_shape=[
            jax.ShapeDtypeStruct((R, _TOPK), jnp.float32),
            jax.ShapeDtypeStruct((R, _TOPK), jnp.int32),
        ],
    )(gathered.reshape(R, _TOPK, _W), voffs, m0.reshape(R, 1),
      lse.reshape(R, 1))

    prev_rep = jnp.repeat(prev_scores, K, axis=1)
    top_s, top_t = pl.pallas_call(
        functools.partial(_merge_body, K * _TOPK),
        out_shape=[
            jax.ShapeDtypeStruct((B, _NUM_DRAFT), jnp.float32),
            jax.ShapeDtypeStruct((B, _NUM_DRAFT), jnp.int32),
        ],
    )(scores.reshape(B, K * _TOPK), tokens.reshape(B, K * _TOPK), prev_rep)
    return top_s, top_t

# --- scband reference (transcript-rebuilt; emitter-appended) ---
"""Pipeline reference for scband-dynamic-tree-drafting-loop-wrapper-12197707121152 (READ-ONLY COPY).

The authoritative reference and input builder live on the scoring server;
editing this copy changes nothing except your own understanding.
"""

import jax, jax.numpy as jnp
import numpy as np

TOPK = 8
MAX_TOTAL_DRAFT_TOKENS = 48


def setup_inputs(seed: int = 0) -> dict:
    key = jax.random.key(seed)
    k1, k2 = jax.random.split(key)
    logits = jax.random.normal(k1, (64, TOPK, 100000), dtype=jnp.float32)
    prev_scores = jax.random.normal(k2, (64, TOPK), dtype=jnp.float32)
    return {"logits": logits, "prev_scores": prev_scores}


def reference(logits, prev_scores):
    # Core of DynamicTreeDraftingLoopWrapper's sample() + update_draft_tokens_and_scores()
    # + resampling_final_draft_tokens():
    # 1) sample(): log-softmax over vocab, then top-k per drafting node
    # 2) cumulative tree scores: child score = parent (previous) score + child log-prob
    # 3) final resampling: global top-k over all candidate draft tokens of a level
    B, K, V = logits.shape
    log_probs = jax.nn.log_softmax(logits, axis=-1)            # [B, K, V]
    new_scores, new_tokens = jax.lax.top_k(log_probs, K)       # [B, K, K]
    cum_scores = new_scores + prev_scores[:, :, None]          # [B, K, K]
    flat_scores = cum_scores.reshape(B, K * K)                 # [B, K*K]
    flat_tokens = new_tokens.reshape(B, K * K)                 # [B, K*K]
    top_scores, top_idx = jax.lax.top_k(flat_scores, MAX_TOTAL_DRAFT_TOKENS)  # [B, T]
    final_tokens = jnp.take_along_axis(flat_tokens, top_idx, axis=1)          # [B, T]
    return top_scores, final_tokens

if __name__ == "__main__":
    import jax
    _d = setup_inputs()
    print(jax.jit(kernel)(*tuple(_d.values())))

</pallas_src>

<mosaic_0001>
#map = affine_map<(d0, d1) -> (0)>
#map1 = affine_map<(d0, d1) -> (0, 0)>
module attributes {stable_mosaic.version = 14 : i64} {
  func.func @gather_sc(%arg0: i32, %arg1: i32, %arg2: memref<4096xi32, #tpu.memory_space<hbm>>, %arg3: memref<64000x800xf32, #tpu.memory_space<hbm>>, %arg4: memref<4096x800xf32, #tpu.memory_space<hbm>>, %arg5: memref<128xi32, #tpu.memory_space<vmem>>, %arg6: memref<128x800xf32, #tpu.memory_space<vmem>>, %arg7: memref<!tpu.dma_semaphore, #tpu.memory_space<semaphore_mem>>) attributes {dimension_semantics = [#tpu.dimension_semantics<core_parallel>, #tpu.dimension_semantics<subcore_parallel>], iteration_bounds = array<i64: 2, 16>, scalar_prefetch = 0 : i64, scratch_operands = 3 : i64, tpu.core_type = #tpu.core_type<sc_vector_subcore>, window_params = [{transform_indices = #map}, {transform_indices = #map1}, {transform_indices = #map1}]} {
    %mul3A = arith.constant 2 : i32
    %mul3A_0 = arith.muli %arg1, %mul3A : i32
    %add3A = arith.addi %mul3A_0, %arg0 : i32
    %mul3A_1 = arith.constant 128 : i32
    %mul3A_2 = arith.muli %add3A, %mul3A_1 : i32
    "tpu.region"() ({
      %run_scoped3A = tpu.sem_alloc : memref<!tpu.dma_semaphore, #tpu.memory_space<semaphore_mem>>
      %dma_start3A_7 = tpu.memref_slice %arg2[%mul3A_2] : memref<4096xi32, #tpu.memory_space<hbm>> -> memref<128xi32, #tpu.memory_space<hbm>>
      %dma_start3A_8 = tpu.memref_slice %arg2[%mul3A_2] : memref<4096xi32, #tpu.memory_space<hbm>> -> memref<128xi32, #tpu.memory_space<hbm>>
      tpu.enqueue_dma source(%dma_start3A_8 : memref<128xi32, #tpu.memory_space<hbm>>) target(%arg5 : memref<128xi32, #tpu.memory_space<vmem>>) target_semaphore(%run_scoped3A : memref<!tpu.dma_semaphore, #tpu.memory_space<semaphore_mem>>)
      %dma_wait3A_9 = tpu.memref_slice %arg2[%mul3A_2] : memref<4096xi32, #tpu.memory_space<hbm>> -> memref<128xi32, #tpu.memory_space<hbm>>
      %dma_wait3A_10 = tpu.memref_slice %arg2[%mul3A_2] : memref<4096xi32, #tpu.memory_space<hbm>> -> memref<128xi32, #tpu.memory_space<hbm>>
      tpu.wait_dma2 semaphore(%run_scoped3A : memref<!tpu.dma_semaphore, #tpu.memory_space<semaphore_mem>>) src(%dma_wait3A_10 : memref<128xi32, #tpu.memory_space<hbm>>) dst(%arg5 : memref<128xi32, #tpu.memory_space<vmem>>)
      tpu.yield
    }) : () -> ()
    %dma_start3A = arith.constant 0 : i32
    %dma_start3A_3 = arith.constant 0 : i32
    %dma_start3A_4 = tpu.memref_slice %arg3[%dma_start3A, %dma_start3A_3] : memref<64000x800xf32, #tpu.memory_space<hbm>> -> memref<64000x800xf32, #tpu.memory_space<hbm>>
    tpu.enqueue_indirect_dma source(%dma_start3A_4 : memref<64000x800xf32, #tpu.memory_space<hbm>>) target(%arg6 : memref<128x800xf32, #tpu.memory_space<vmem>>) offsets(%arg5 : memref<128xi32, #tpu.memory_space<vmem>>) semaphore(%arg7 : memref<!tpu.dma_semaphore, #tpu.memory_space<semaphore_mem>>)
    %dma_wait3A = arith.constant 0 : i32
    %dma_wait3A_5 = arith.constant 0 : i32
    %dma_wait3A_6 = tpu.memref_slice %arg3[%dma_wait3A, %dma_wait3A_5] : memref<64000x800xf32, #tpu.memory_space<hbm>> -> memref<64000x800xf32, #tpu.memory_space<hbm>>
    tpu.wait_indirect_dma semaphore(%arg7 : memref<!tpu.dma_semaphore, #tpu.memory_space<semaphore_mem>>) src(%dma_wait3A_6 : memref<64000x800xf32, #tpu.memory_space<hbm>>) dst(%arg6 : memref<128x800xf32, #tpu.memory_space<vmem>>)
    "tpu.region"() ({
      %run_scoped3A = tpu.sem_alloc : memref<!tpu.dma_semaphore, #tpu.memory_space<semaphore_mem>>
      %dma_start3A_7 = arith.constant 0 : i32
      %dma_start3A_8 = tpu.memref_slice %arg4[%mul3A_2, %dma_start3A_7] : memref<4096x800xf32, #tpu.memory_space<hbm>> -> memref<128x800xf32, #tpu.memory_space<hbm>>
      %dma_start3A_9 = arith.constant 0 : i32
      %dma_start3A_10 = tpu.memref_slice %arg4[%mul3A_2, %dma_start3A_9] : memref<4096x800xf32, #tpu.memory_space<hbm>> -> memref<128x800xf32, #tpu.memory_space<hbm>>
      tpu.enqueue_dma source(%arg6 : memref<128x800xf32, #tpu.memory_space<vmem>>) target(%dma_start3A_10 : memref<128x800xf32, #tpu.memory_space<hbm>>) target_semaphore(%run_scoped3A : memref<!tpu.dma_semaphore, #tpu.memory_space<semaphore_mem>>)
      %dma_wait3A_11 = arith.constant 0 : i32
      %dma_wait3A_12 = tpu.memref_slice %arg4[%mul3A_2, %dma_wait3A_11] : memref<4096x800xf32, #tpu.memory_space<hbm>> -> memref<128x800xf32, #tpu.memory_space<hbm>>
      %dma_wait3A_13 = arith.constant 0 : i32
      %dma_wait3A_14 = tpu.memref_slice %arg4[%mul3A_2, %dma_wait3A_13] : memref<4096x800xf32, #tpu.memory_space<hbm>> -> memref<128x800xf32, #tpu.memory_space<hbm>>
      tpu.wait_dma2 semaphore(%run_scoped3A : memref<!tpu.dma_semaphore, #tpu.memory_space<semaphore_mem>>) src(%arg6 : memref<128x800xf32, #tpu.memory_space<vmem>>) dst(%dma_wait3A_14 : memref<128x800xf32, #tpu.memory_space<hbm>>)
      tpu.yield
    }) : () -> ()
    return
  }
}

module attributes {stable_mosaic.version = 14 : i64} {
  func.func @_strip_select_body(%arg0: memref<512x125xf32, #tpu.memory_space<vmem>>, %arg1: memref<512x8xi32, #tpu.memory_space<vmem>>, %arg2: memref<512x8xi32, #tpu.memory_space<vmem>>) attributes {dimension_semantics = [], scalar_prefetch = 0 : i64, scratch_operands = 0 : i64, tpu.core_type = #tpu.core_type<tc>} {
    %get3A = arith.constant 0 : index
    %get3A_0 = arith.constant 0 : index
    %get3A_1 = vector.load %arg0[%get3A, %get3A_0] : memref<512x125xf32, #tpu.memory_space<vmem>>, vector<512x125xf32>
    %iota3A = tpu.iota {dimensions = array<i32: 1>} : vector<512x125xi32>
    %mul3A = arith.constant 800 : i32
    %mul3A_2 = vector.broadcast %mul3A : i32 to vector<512x125xi32>
    %mul3A_3 = arith.muli %iota3A, %mul3A_2 : vector<512x125xi32>
    %iota3A_4 = tpu.iota {dimensions = array<i32: 1>} : vector<512x8xi32>
    %broadcast_in_dim3A = arith.constant false
    %broadcast_in_dim3A_5 = vector.broadcast %broadcast_in_dim3A : i1 to vector<512x125xi1>
    %reduce_max3A = arith.constant dense<0xFF800000> : vector<512xf32>
    %reduce_max3A_6 = vector.multi_reduction <maximumf>, %get3A_1, %reduce_max3A [1] : vector<512x125xf32> to vector<512xf32>
    %broadcast_in_dim3A_7 = vector.shape_cast %reduce_max3A_6 : vector<512xf32> to vector<512x1xf32>
    %eq3A = vector.broadcast %broadcast_in_dim3A_7 : vector<512x1xf32> to vector<512x125xf32>
    %eq3A_8 = arith.cmpf oeq, %get3A_1, %eq3A : vector<512x125xf32>
    %jit3A = arith.constant 1073741824 : i32
    %broadcast_in_dim3A_9 = vector.broadcast %jit3A : i32 to vector<512x125xi32>
    %select_n3A = arith.select %eq3A_8, %mul3A_3, %broadcast_in_dim3A_9 : vector<512x125xi1>, vector<512x125xi32>
    %reduce_min3A = arith.constant dense<2147483647> : vector<512xi32>
    %reduce_min3A_10 = vector.multi_reduction <minsi>, %select_n3A, %reduce_min3A [1] : vector<512x125xi32> to vector<512xi32>
    %broadcast_in_dim3A_11 = vector.shape_cast %reduce_min3A_10 : vector<512xi32> to vector<512x1xi32>
    %eq3A_12 = vector.broadcast %broadcast_in_dim3A_11 : vector<512x1xi32> to vector<512x125xi32>
    %eq3A_13 = arith.cmpi eq, %mul3A_3, %eq3A_12 : vector<512x125xi32>
    %or3A = arith.ori %broadcast_in_dim3A_5, %eq3A_13 : vector<512x125xi1>
    %jit3A_14 = arith.constant 0xFF800000 : f32
    %broadcast_in_dim3A_15 = vector.broadcast %jit3A_14 : f32 to vector<512x125xf32>
    %select_n3A_16 = arith.select %eq3A_13, %broadcast_in_dim3A_15, %get3A_1 : vector<512x125xi1>, vector<512x125xf32>
    %reduce_max3A_17 = arith.constant dense<0xFF800000> : vector<512xf32>
    %reduce_max3A_18 = vector.multi_reduction <maximumf>, %select_n3A_16, %reduce_max3A_17 [1] : vector<512x125xf32> to vector<512xf32>
    %broadcast_in_dim3A_19 = vector.shape_cast %reduce_max3A_18 : vector<512xf32> to vector<512x1xf32>
    %eq3A_20 = vector.broadcast %broadcast_in_dim3A_19 : vector<512x1xf32> to vector<512x125xf32>
    %eq3A_21 = arith.cmpf oeq, %select_n3A_16, %eq3A_20 : vector<512x125xf32>
    %jit3A_22 = arith.constant 1073741824 : i32
    %broadcast_in_dim3A_23 = vector.broadcast %jit3A_22 : i32 to vector<512x125xi32>
    %select_n3A_24 = arith.select %eq3A_21, %mul3A_3, %broadcast_in_dim3A_23 : vector<512x125xi1>, vector<512x125xi32>
    %reduce_min3A_25 = arith.constant dense<2147483647> : vector<512xi32>
    %reduce_min3A_26 = vector.multi_reduction <minsi>, %select_n3A_24, %reduce_min3A_25 [1] : vector<512x125xi32> to vector<512xi32>
    %broadcast_in_dim3A_27 = vector.shape_cast %reduce_min3A_26 : vector<512xi32> to vector<512x1xi32>
    %eq3A_28 = vector.broadcast %broadcast_in_dim3A_27 : vector<512x1xi32> to vector<512x125xi32>
    %eq3A_29 = arith.cmpi eq, %mul3A_3, %eq3A_28 : vector<512x125xi32>
    %or3A_30 = arith.ori %or3A, %eq3A_29 : vector<512x125xi1>
    %jit3A_31 = arith.constant 0xFF800000 : f32
    %broadcast_in_dim3A_32 = vector.broadcast %jit3A_31 : f32 to vector<512x125xf32>
    %select_n3A_33 = arith.select %eq3A_29, %broadcast_in_dim3A_32, %select_n3A_16 : vector<512x125xi1>, vector<512x125xf32>
    %reduce_max3A_34 = arith.constant dense<0xFF800000> : vector<512xf32>
    %reduce_max3A_35 = vector.multi_reduction <maximumf>, %select_n3A_33, %reduce_max3A_34 [1] : vector<512x125xf32> to vector<512xf32>
    %broadcast_in_dim3A_36 = vector.shape_cast %reduce_max3A_35 : vector<512xf32> to vector<512x1xf32>
    %eq3A_37 = vector.broadcast %broadcast_in_dim3A_36 : vector<512x1xf32> to vector<512x125xf32>
    %eq3A_38 = arith.cmpf oeq, %select_n3A_33, %eq3A_37 : vector<512x125xf32>
    %jit3A_39 = arith.constant 1073741824 : i32
    %broadcast_in_dim3A_40 = vector.broadcast %jit3A_39 : i32 to vector<512x125xi32>
    %select_n3A_41 = arith.select %eq3A_38, %mul3A_3, %broadcast_in_dim3A_40 : vector<512x125xi1>, vector<512x125xi32>
    %reduce_min3A_42 = arith.constant dense<2147483647> : vector<512xi32>
    %reduce_min3A_43 = vector.multi_reduction <minsi>, %select_n3A_41, %reduce_min3A_42 [1] : vector<512x125xi32> to vector<512xi32>
    %broadcast_in_dim3A_44 = vector.shape_cast %reduce_min3A_43 : vector<512xi32> to vector<512x1xi32>
    %eq3A_45 = vector.broadcast %broadcast_in_dim3A_44 : vector<512x1xi32> to vector<512x125xi32>
    %eq3A_46 = arith.cmpi eq, %mul3A_3, %eq3A_45 : vector<512x125xi32>
    %or3A_47 = arith.ori %or3A_30, %eq3A_46 : vector<512x125xi1>
    %jit3A_48 = arith.constant 0xFF800000 : f32
    %broadcast_in_dim3A_49 = vector.broadcast %jit3A_48 : f32 to vector<512x125xf32>
    %select_n3A_50 = arith.select %eq3A_46, %broadcast_in_dim3A_49, %select_n3A_33 : vector<512x125xi1>, vector<512x125xf32>
    %reduce_max3A_51 = arith.constant dense<0xFF800000> : vector<512xf32>
    %reduce_max3A_52 = vector.multi_reduction <maximumf>, %select_n3A_50, %reduce_max3A_51 [1] : vector<512x125xf32> to vector<512xf32>
    %broadcast_in_dim3A_53 = vector.shape_cast %reduce_max3A_52 : vector<512xf32> to vector<512x1xf32>
    %eq3A_54 = vector.broadcast %broadcast_in_dim3A_53 : vector<512x1xf32> to vector<512x125xf32>
    %eq3A_55 = arith.cmpf oeq, %select_n3A_50, %eq3A_54 : vector<512x125xf32>
    %jit3A_56 = arith.constant 1073741824 : i32
    %broadcast_in_dim3A_57 = vector.broadcast %jit3A_56 : i32 to vector<512x125xi32>
    %select_n3A_58 = arith.select %eq3A_55, %mul3A_3, %broadcast_in_dim3A_57 : vector<512x125xi1>, vector<512x125xi32>
    %reduce_min3A_59 = arith.constant dense<2147483647> : vector<512xi32>
    %reduce_min3A_60 = vector.multi_reduction <minsi>, %select_n3A_58, %reduce_min3A_59 [1] : vector<512x125xi32> to vector<512xi32>
    %broadcast_in_dim3A_61 = vector.shape_cast %reduce_min3A_60 : vector<512xi32> to vector<512x1xi32>
    %eq3A_62 = vector.broadcast %broadcast_in_dim3A_61 : vector<512x1xi32> to vector<512x125xi32>
    %eq3A_63 = arith.cmpi eq, %mul3A_3, %eq3A_62 : vector<512x125xi32>
    %or3A_64 = arith.ori %or3A_47, %eq3A_63 : vector<512x125xi1>
    %jit3A_65 = arith.constant 0xFF800000 : f32
    %broadcast_in_dim3A_66 = vector.broadcast %jit3A_65 : f32 to vector<512x125xf32>
    %select_n3A_67 = arith.select %eq3A_63, %broadcast_in_dim3A_66, %select_n3A_50 : vector<512x125xi1>, vector<512x125xf32>
    %reduce_max3A_68 = arith.constant dense<0xFF800000> : vector<512xf32>
    %reduce_max3A_69 = vector.multi_reduction <maximumf>, %select_n3A_67, %reduce_max3A_68 [1] : vector<512x125xf32> to vector<512xf32>
    %broadcast_in_dim3A_70 = vector.shape_cast %reduce_max3A_69 : vector<512xf32> to vector<512x1xf32>
    %eq3A_71 = vector.broadcast %broadcast_in_dim3A_70 : vector<512x1xf32> to vector<512x125xf32>
    %eq3A_72 = arith.cmpf oeq, %select_n3A_67, %eq3A_71 : vector<512x125xf32>
    %jit3A_73 = arith.constant 1073741824 : i32
    %broadcast_in_dim3A_74 = vector.broadcast %jit3A_73 : i32 to vector<512x125xi32>
    %select_n3A_75 = arith.select %eq3A_72, %mul3A_3, %broadcast_in_dim3A_74 : vector<512x125xi1>, vector<512x125xi32>
    %reduce_min3A_76 = arith.constant dense<2147483647> : vector<512xi32>
    %reduce_min3A_77 = vector.multi_reduction <minsi>, %select_n3A_75, %reduce_min3A_76 [1] : vector<512x125xi32> to vector<512xi32>
    %broadcast_in_dim3A_78 = vector.shape_cast %reduce_min3A_77 : vector<512xi32> to vector<512x1xi32>
    %eq3A_79 = vector.broadcast %broadcast_in_dim3A_78 : vector<512x1xi32> to vector<512x125xi32>
    %eq3A_80 = arith.cmpi eq, %mul3A_3, %eq3A_79 : vector<512x125xi32>
    %or3A_81 = arith.ori %or3A_64, %eq3A_80 : vector<512x125xi1>
    %jit3A_82 = arith.constant 0xFF800000 : f32
    %broadcast_in_dim3A_83 = vector.broadcast %jit3A_82 : f32 to vector<512x125xf32>
    %select_n3A_84 = arith.select %eq3A_80, %broadcast_in_dim3A_83, %select_n3A_67 : vector<512x125xi1>, vector<512x125xf32>
    %reduce_max3A_85 = arith.constant dense<0xFF800000> : vector<512xf32>
    %reduce_max3A_86 = vector.multi_reduction <maximumf>, %select_n3A_84, %reduce_max3A_85 [1] : vector<512x125xf32> to vector<512xf32>
    %broadcast_in_dim3A_87 = vector.shape_cast %reduce_max3A_86 : vector<512xf32> to vector<512x1xf32>
    %eq3A_88 = vector.broadcast %broadcast_in_dim3A_87 : vector<512x1xf32> to vector<512x125xf32>
    %eq3A_89 = arith.cmpf oeq, %select_n3A_84, %eq3A_88 : vector<512x125xf32>
    %jit3A_90 = arith.constant 1073741824 : i32
    %broadcast_in_dim3A_91 = vector.broadcast %jit3A_90 : i32 to vector<512x125xi32>
    %select_n3A_92 = arith.select %eq3A_89, %mul3A_3, %broadcast_in_dim3A_91 : vector<512x125xi1>, vector<512x125xi32>
    %reduce_min3A_93 = arith.constant dense<2147483647> : vector<512xi32>
    %reduce_min3A_94 = vector.multi_reduction <minsi>, %select_n3A_92, %reduce_min3A_93 [1] : vector<512x125xi32> to vector<512xi32>
    %broadcast_in_dim3A_95 = vector.shape_cast %reduce_min3A_94 : vector<512xi32> to vector<512x1xi32>
    %eq3A_96 = vector.broadcast %broadcast_in_dim3A_95 : vector<512x1xi32> to vector<512x125xi32>
    %eq3A_97 = arith.cmpi eq, %mul3A_3, %eq3A_96 : vector<512x125xi32>
    %or3A_98 = arith.ori %or3A_81, %eq3A_97 : vector<512x125xi1>
    %jit3A_99 = arith.constant 0xFF800000 : f32
    %broadcast_in_dim3A_100 = vector.broadcast %jit3A_99 : f32 to vector<512x125xf32>
    %select_n3A_101 = arith.select %eq3A_97, %broadcast_in_dim3A_100, %select_n3A_84 : vector<512x125xi1>, vector<512x125xf32>
    %reduce_max3A_102 = arith.constant dense<0xFF800000> : vector<512xf32>
    %reduce_max3A_103 = vector.multi_reduction <maximumf>, %select_n3A_101, %reduce_max3A_102 [1] : vector<512x125xf32> to vector<512xf32>
    %broadcast_in_dim3A_104 = vector.shape_cast %reduce_max3A_103 : vector<512xf32> to vector<512x1xf32>
    %eq3A_105 = vector.broadcast %broadcast_in_dim3A_104 : vector<512x1xf32> to vector<512x125xf32>
    %eq3A_106 = arith.cmpf oeq, %select_n3A_101, %eq3A_105 : vector<512x125xf32>
    %jit3A_107 = arith.constant 1073741824 : i32
    %broadcast_in_dim3A_108 = vector.broadcast %jit3A_107 : i32 to vector<512x125xi32>
    %select_n3A_109 = arith.select %eq3A_106, %mul3A_3, %broadcast_in_dim3A_108 : vector<512x125xi1>, vector<512x125xi32>
    %reduce_min3A_110 = arith.constant dense<2147483647> : vector<512xi32>
    %reduce_min3A_111 = vector.multi_reduction <minsi>, %select_n3A_109, %reduce_min3A_110 [1] : vector<512x125xi32> to vector<512xi32>
    %broadcast_in_dim3A_112 = vector.shape_cast %reduce_min3A_111 : vector<512xi32> to vector<512x1xi32>
    %eq3A_113 = vector.broadcast %broadcast_in_dim3A_112 : vector<512x1xi32> to vector<512x125xi32>
    %eq3A_114 = arith.cmpi eq, %mul3A_3, %eq3A_113 : vector<512x125xi32>
    %or3A_115 = arith.ori %or3A_98, %eq3A_114 : vector<512x125xi1>
    %jit3A_116 = arith.constant 0xFF800000 : f32
    %broadcast_in_dim3A_117 = vector.broadcast %jit3A_116 : f32 to vector<512x125xf32>
    %select_n3A_118 = arith.select %eq3A_114, %broadcast_in_dim3A_117, %select_n3A_101 : vector<512x125xi1>, vector<512x125xf32>
    %reduce_max3A_119 = arith.constant dense<0xFF800000> : vector<512xf32>
    %reduce_max3A_120 = vector.multi_reduction <maximumf>, %select_n3A_118, %reduce_max3A_119 [1] : vector<512x125xf32> to vector<512xf32>
    %broadcast_in_dim3A_121 = vector.shape_cast %reduce_max3A_120 : vector<512xf32> to vector<512x1xf32>
    %eq3A_122 = vector.broadcast %broadcast_in_dim3A_121 : vector<512x1xf32> to vector<512x125xf32>
    %eq3A_123 = arith.cmpf oeq, %select_n3A_118, %eq3A_122 : vector<512x125xf32>
    %jit3A_124 = arith.constant 1073741824 : i32
    %broadcast_in_dim3A_125 = vector.broadcast %jit3A_124 : i32 to vector<512x125xi32>
    %select_n3A_126 = arith.select %eq3A_123, %mul3A_3, %broadcast_in_dim3A_125 : vector<512x125xi1>, vector<512x125xi32>
    %reduce_min3A_127 = arith.constant dense<2147483647> : vector<512xi32>
    %reduce_min3A_128 = vector.multi_reduction <minsi>, %select_n3A_126, %reduce_min3A_127 [1] : vector<512x125xi32> to vector<512xi32>
    %broadcast_in_dim3A_129 = vector.shape_cast %reduce_min3A_128 : vector<512xi32> to vector<512x1xi32>
    %eq3A_130 = vector.broadcast %broadcast_in_dim3A_129 : vector<512x1xi32> to vector<512x125xi32>
    %eq3A_131 = arith.cmpi eq, %mul3A_3, %eq3A_130 : vector<512x125xi32>
    %or3A_132 = arith.ori %or3A_115, %eq3A_131 : vector<512x125xi1>
    %broadcast_in_dim3A_133 = arith.constant 0 : i32
    %broadcast_in_dim3A_134 = vector.broadcast %broadcast_in_dim3A_133 : i32 to vector<512x8xi32>
    %jit3A_135 = arith.constant 1073741824 : i32
    %broadcast_in_dim3A_136 = vector.broadcast %jit3A_135 : i32 to vector<512x125xi32>
    %select_n3A_137 = arith.select %or3A_132, %mul3A_3, %broadcast_in_dim3A_136 : vector<512x125xi1>, vector<512x125xi32>
    %reduce_min3A_138 = arith.constant dense<2147483647> : vector<512xi32>
    %reduce_min3A_139 = vector.multi_reduction <minsi>, %select_n3A_137, %reduce_min3A_138 [1] : vector<512x125xi32> to vector<512xi32>
    %broadcast_in_dim3A_140 = vector.shape_cast %reduce_min3A_139 : vector<512xi32> to vector<512x1xi32>
    %ne3A = vector.broadcast %broadcast_in_dim3A_140 : vector<512x1xi32> to vector<512x125xi32>
    %ne3A_141 = arith.cmpi ne, %mul3A_3, %ne3A : vector<512x125xi32>
    %and3A = arith.andi %or3A_132, %ne3A_141 : vector<512x125xi1>
    %eq3A_142 = arith.constant 0 : i32
    %eq3A_143 = vector.broadcast %eq3A_142 : i32 to vector<512x8xi32>
    %eq3A_144 = arith.cmpi eq, %iota3A_4, %eq3A_143 : vector<512x8xi32>
    %broadcast_in_dim3A_145 = vector.shape_cast %broadcast_in_dim3A_140 : vector<512x1xi32> to vector<512x1xi32>
    %broadcast_in_dim3A_146 = vector.broadcast %broadcast_in_dim3A_145 : vector<512x1xi32> to vector<512x8xi32>
    %select_n3A_147 = arith.select %eq3A_144, %broadcast_in_dim3A_146, %broadcast_in_dim3A_134 : vector<512x8xi1>, vector<512x8xi32>
    %jit3A_148 = arith.constant 1073741824 : i32
    %broadcast_in_dim3A_149 = vector.broadcast %jit3A_148 : i32 to vector<512x125xi32>
    %select_n3A_150 = arith.select %and3A, %mul3A_3, %broadcast_in_dim3A_149 : vector<512x125xi1>, vector<512x125xi32>
    %reduce_min3A_151 = arith.constant dense<2147483647> : vector<512xi32>
    %reduce_min3A_152 = vector.multi_reduction <minsi>, %select_n3A_150, %reduce_min3A_151 [1] : vector<512x125xi32> to vector<512xi32>
    %broadcast_in_dim3A_153 = vector.shape_cast %reduce_min3A_152 : vector<512xi32> to vector<512x1xi32>
    %ne3A_154 = vector.broadcast %broadcast_in_dim3A_153 : vector<512x1xi32> to vector<512x125xi32>
    %ne3A_155 = arith.cmpi ne, %mul3A_3, %ne3A_154 : vector<512x125xi32>
    %and3A_156 = arith.andi %and3A, %ne3A_155 : vector<512x125xi1>
    %eq3A_157 = arith.constant 1 : i32
    %eq3A_158 = vector.broadcast %eq3A_157 : i32 to vector<512x8xi32>
    %eq3A_159 = arith.cmpi eq, %iota3A_4, %eq3A_158 : vector<512x8xi32>
    %broadcast_in_dim3A_160 = vector.shape_cast %broadcast_in_dim3A_153 : vector<512x1xi32> to vector<512x1xi32>
    %broadcast_in_dim3A_161 = vector.broadcast %broadcast_in_dim3A_160 : vector<512x1xi32> to vector<512x8xi32>
    %select_n3A_162 = arith.select %eq3A_159, %broadcast_in_dim3A_161, %select_n3A_147 : vector<512x8xi1>, vector<512x8xi32>
    %jit3A_163 = arith.constant 1073741824 : i32
    %broadcast_in_dim3A_164 = vector.broadcast %jit3A_163 : i32 to vector<512x125xi32>
    %select_n3A_165 = arith.select %and3A_156, %mul3A_3, %broadcast_in_dim3A_164 : vector<512x125xi1>, vector<512x125xi32>
    %reduce_min3A_166 = arith.constant dense<2147483647> : vector<512xi32>
    %reduce_min3A_167 = vector.multi_reduction <minsi>, %select_n3A_165, %reduce_min3A_166 [1] : vector<512x125xi32> to vector<512xi32>
    %broadcast_in_dim3A_168 = vector.shape_cast %reduce_min3A_167 : vector<512xi32> to vector<512x1xi32>
    %ne3A_169 = vector.broadcast %broadcast_in_dim3A_168 : vector<512x1xi32> to vector<512x125xi32>
    %ne3A_170 = arith.cmpi ne, %mul3A_3, %ne3A_169 : vector<512x125xi32>
    %and3A_171 = arith.andi %and3A_156, %ne3A_170 : vector<512x125xi1>
    %eq3A_172 = arith.constant 2 : i32
    %eq3A_173 = vector.broadcast %eq3A_172 : i32 to vector<512x8xi32>
    %eq3A_174 = arith.cmpi eq, %iota3A_4, %eq3A_173 : vector<512x8xi32>
    %broadcast_in_dim3A_175 = vector.shape_cast %broadcast_in_dim3A_168 : vector<512x1xi32> to vector<512x1xi32>
    %broadcast_in_dim3A_176 = vector.broadcast %broadcast_in_dim3A_175 : vector<512x1xi32> to vector<512x8xi32>
    %select_n3A_177 = arith.select %eq3A_174, %broadcast_in_dim3A_176, %select_n3A_162 : vector<512x8xi1>, vector<512x8xi32>
    %jit3A_178 = arith.constant 1073741824 : i32
    %broadcast_in_dim3A_179 = vector.broadcast %jit3A_178 : i32 to vector<512x125xi32>
    %select_n3A_180 = arith.select %and3A_171, %mul3A_3, %broadcast_in_dim3A_179 : vector<512x125xi1>, vector<512x125xi32>
    %reduce_min3A_181 = arith.constant dense<2147483647> : vector<512xi32>
    %reduce_min3A_182 = vector.multi_reduction <minsi>, %select_n3A_180, %reduce_min3A_181 [1] : vector<512x125xi32> to vector<512xi32>
    %broadcast_in_dim3A_183 = vector.shape_cast %reduce_min3A_182 : vector<512xi32> to vector<512x1xi32>
    %ne3A_184 = vector.broadcast %broadcast_in_dim3A_183 : vector<512x1xi32> to vector<512x125xi32>
    %ne3A_185 = arith.cmpi ne, %mul3A_3, %ne3A_184 : vector<512x125xi32>
    %and3A_186 = arith.andi %and3A_171, %ne3A_185 : vector<512x125xi1>
    %eq3A_187 = arith.constant 3 : i32
    %eq3A_188 = vector.broadcast %eq3A_187 : i32 to vector<512x8xi32>
    %eq3A_189 = arith.cmpi eq, %iota3A_4, %eq3A_188 : vector<512x8xi32>
    %broadcast_in_dim3A_190 = vector.shape_cast %broadcast_in_dim3A_183 : vector<512x1xi32> to vector<512x1xi32>
    %broadcast_in_dim3A_191 = vector.broadcast %broadcast_in_dim3A_190 : vector<512x1xi32> to vector<512x8xi32>
    %select_n3A_192 = arith.select %eq3A_189, %broadcast_in_dim3A_191, %select_n3A_177 : vector<512x8xi1>, vector<512x8xi32>
    %jit3A_193 = arith.constant 1073741824 : i32
    %broadcast_in_dim3A_194 = vector.broadcast %jit3A_193 : i32 to vector<512x125xi32>
    %select_n3A_195 = arith.select %and3A_186, %mul3A_3, %broadcast_in_dim3A_194 : vector<512x125xi1>, vector<512x125xi32>
    %reduce_min3A_196 = arith.constant dense<2147483647> : vector<512xi32>
    %reduce_min3A_197 = vector.multi_reduction <minsi>, %select_n3A_195, %reduce_min3A_196 [1] : vector<512x125xi32> to vector<512xi32>
    %broadcast_in_dim3A_198 = vector.shape_cast %reduce_min3A_197 : vector<512xi32> to vector<512x1xi32>
    %ne3A_199 = vector.broadcast %broadcast_in_dim3A_198 : vector<512x1xi32> to vector<512x125xi32>
    %ne3A_200 = arith.cmpi ne, %mul3A_3, %ne3A_199 : vector<512x125xi32>
    %and3A_201 = arith.andi %and3A_186, %ne3A_200 : vector<512x125xi1>
    %eq3A_202 = arith.constant 4 : i32
    %eq3A_203 = vector.broadcast %eq3A_202 : i32 to vector<512x8xi32>
    %eq3A_204 = arith.cmpi eq, %iota3A_4, %eq3A_203 : vector<512x8xi32>
    %broadcast_in_dim3A_205 = vector.shape_cast %broadcast_in_dim3A_198 : vector<512x1xi32> to vector<512x1xi32>
    %broadcast_in_dim3A_206 = vector.broadcast %broadcast_in_dim3A_205 : vector<512x1xi32> to vector<512x8xi32>
    %select_n3A_207 = arith.select %eq3A_204, %broadcast_in_dim3A_206, %select_n3A_192 : vector<512x8xi1>, vector<512x8xi32>
    %jit3A_208 = arith.constant 1073741824 : i32
    %broadcast_in_dim3A_209 = vector.broadcast %jit3A_208 : i32 to vector<512x125xi32>
    %select_n3A_210 = arith.select %and3A_201, %mul3A_3, %broadcast_in_dim3A_209 : vector<512x125xi1>, vector<512x125xi32>
    %reduce_min3A_211 = arith.constant dense<2147483647> : vector<512xi32>
    %reduce_min3A_212 = vector.multi_reduction <minsi>, %select_n3A_210, %reduce_min3A_211 [1] : vector<512x125xi32> to vector<512xi32>
    %broadcast_in_dim3A_213 = vector.shape_cast %reduce_min3A_212 : vector<512xi32> to vector<512x1xi32>
    %ne3A_214 = vector.broadcast %broadcast_in_dim3A_213 : vector<512x1xi32> to vector<512x125xi32>
    %ne3A_215 = arith.cmpi ne, %mul3A_3, %ne3A_214 : vector<512x125xi32>
    %and3A_216 = arith.andi %and3A_201, %ne3A_215 : vector<512x125xi1>
    %eq3A_217 = arith.constant 5 : i32
    %eq3A_218 = vector.broadcast %eq3A_217 : i32 to vector<512x8xi32>
    %eq3A_219 = arith.cmpi eq, %iota3A_4, %eq3A_218 : vector<512x8xi32>
    %broadcast_in_dim3A_220 = vector.shape_cast %broadcast_in_dim3A_213 : vector<512x1xi32> to vector<512x1xi32>
    %broadcast_in_dim3A_221 = vector.broadcast %broadcast_in_dim3A_220 : vector<512x1xi32> to vector<512x8xi32>
    %select_n3A_222 = arith.select %eq3A_219, %broadcast_in_dim3A_221, %select_n3A_207 : vector<512x8xi1>, vector<512x8xi32>
    %jit3A_223 = arith.constant 1073741824 : i32
    %broadcast_in_dim3A_224 = vector.broadcast %jit3A_223 : i32 to vector<512x125xi32>
    %select_n3A_225 = arith.select %and3A_216, %mul3A_3, %broadcast_in_dim3A_224 : vector<512x125xi1>, vector<512x125xi32>
    %reduce_min3A_226 = arith.constant dense<2147483647> : vector<512xi32>
    %reduce_min3A_227 = vector.multi_reduction <minsi>, %select_n3A_225, %reduce_min3A_226 [1] : vector<512x125xi32> to vector<512xi32>
    %broadcast_in_dim3A_228 = vector.shape_cast %reduce_min3A_227 : vector<512xi32> to vector<512x1xi32>
    %ne3A_229 = vector.broadcast %broadcast_in_dim3A_228 : vector<512x1xi32> to vector<512x125xi32>
    %ne3A_230 = arith.cmpi ne, %mul3A_3, %ne3A_229 : vector<512x125xi32>
    %and3A_231 = arith.andi %and3A_216, %ne3A_230 : vector<512x125xi1>
    %eq3A_232 = arith.constant 6 : i32
    %eq3A_233 = vector.broadcast %eq3A_232 : i32 to vector<512x8xi32>
    %eq3A_234 = arith.cmpi eq, %iota3A_4, %eq3A_233 : vector<512x8xi32>
    %broadcast_in_dim3A_235 = vector.shape_cast %broadcast_in_dim3A_228 : vector<512x1xi32> to vector<512x1xi32>
    %broadcast_in_dim3A_236 = vector.broadcast %broadcast_in_dim3A_235 : vector<512x1xi32> to vector<512x8xi32>
    %select_n3A_237 = arith.select %eq3A_234, %broadcast_in_dim3A_236, %select_n3A_222 : vector<512x8xi1>, vector<512x8xi32>
    %jit3A_238 = arith.constant 1073741824 : i32
    %broadcast_in_dim3A_239 = vector.broadcast %jit3A_238 : i32 to vector<512x125xi32>
    %select_n3A_240 = arith.select %and3A_231, %mul3A_3, %broadcast_in_dim3A_239 : vector<512x125xi1>, vector<512x125xi32>
    %reduce_min3A_241 = arith.constant dense<2147483647> : vector<512xi32>
    %reduce_min3A_242 = vector.multi_reduction <minsi>, %select_n3A_240, %reduce_min3A_241 [1] : vector<512x125xi32> to vector<512xi32>
    %broadcast_in_dim3A_243 = vector.shape_cast %reduce_min3A_242 : vector<512xi32> to vector<512x1xi32>
    %eq3A_244 = arith.constant 7 : i32
    %eq3A_245 = vector.broadcast %eq3A_244 : i32 to vector<512x8xi32>
    %eq3A_246 = arith.cmpi eq, %iota3A_4, %eq3A_245 : vector<512x8xi32>
    %broadcast_in_dim3A_247 = vector.shape_cast %broadcast_in_dim3A_243 : vector<512x1xi32> to vector<512x1xi32>
    %broadcast_in_dim3A_248 = vector.broadcast %broadcast_in_dim3A_247 : vector<512x1xi32> to vector<512x8xi32>
    %select_n3A_249 = arith.select %eq3A_246, %broadcast_in_dim3A_248, %select_n3A_237 : vector<512x8xi1>, vector<512x8xi32>
    %swap3A = arith.constant 0 : index
    %swap3A_250 = arith.constant 0 : index
    %swap3A_251 = vector.load %arg1[%swap3A, %swap3A_250] : memref<512x8xi32, #tpu.memory_space<vmem>>, vector<512x8xi32>
    tpu.vector_store %arg1[%swap3A, %swap3A_250], %select_n3A_249 {strides = array<i32>} : memref<512x8xi32, #tpu.memory_space<vmem>>, vector<512x8xi32>,
    %iota3A_252 = tpu.iota {dimensions = array<i32: 0>} : vector<512x8xi32>
    %mul3A_253 = arith.constant 125 : i32
    %mul3A_254 = vector.broadcast %mul3A_253 : i32 to vector<512x8xi32>
    %mul3A_255 = arith.muli %iota3A_252, %mul3A_254 : vector<512x8xi32>
    %jit3A_256 = arith.constant 800 : i32
    %div3A = vector.broadcast %jit3A_256 : i32 to vector<512x8xi32>
    %div3A_257 = arith.divsi %select_n3A_249, %div3A : vector<512x8xi32>
    %sign3A = arith.constant 0 : i32
    %sign3A_258 = vector.broadcast %sign3A : i32 to vector<512x8xi32>
    %sign3A_259 = arith.cmpi sgt, %select_n3A_249, %sign3A_258 : vector<512x8xi32>
    %sign3A_260 = arith.extui %sign3A_259 : vector<512x8xi1> to vector<512x8xi32>
    %sign3A_261 = arith.constant 0 : i32
    %sign3A_262 = vector.broadcast %sign3A_261 : i32 to vector<512x8xi32>
    %sign3A_263 = arith.cmpi slt, %select_n3A_249, %sign3A_262 : vector<512x8xi32>
    %sign3A_264 = arith.extui %sign3A_263 : vector<512x8xi1> to vector<512x8xi32>
    %sign3A_265 = arith.subi %sign3A_260, %sign3A_264 : vector<512x8xi32>
    %sign3A_266 = arith.constant 0 : i32
    %sign3A_267 = arith.cmpi sgt, %jit3A_256, %sign3A_266 : i32
    %sign3A_268 = arith.extui %sign3A_267 : i1 to i32
    %sign3A_269 = arith.constant 0 : i32
    %sign3A_270 = arith.cmpi slt, %jit3A_256, %sign3A_269 : i32
    %sign3A_271 = arith.extui %sign3A_270 : i1 to i32
    %sign3A_272 = arith.subi %sign3A_268, %sign3A_271 : i32
    %ne3A_273 = vector.broadcast %sign3A_272 : i32 to vector<512x8xi32>
    %ne3A_274 = arith.cmpi ne, %sign3A_265, %ne3A_273 : vector<512x8xi32>
    %rem3A = vector.broadcast %jit3A_256 : i32 to vector<512x8xi32>
    %rem3A_275 = arith.remsi %select_n3A_249, %rem3A : vector<512x8xi32>
    %ne3A_276 = arith.constant 0 : i32
    %ne3A_277 = vector.broadcast %ne3A_276 : i32 to vector<512x8xi32>
    %ne3A_278 = arith.cmpi ne, %rem3A_275, %ne3A_277 : vector<512x8xi32>
    %and3A_279 = arith.andi %ne3A_274, %ne3A_278 : vector<512x8xi1>
    %sub3A = arith.constant 1 : i32
    %sub3A_280 = vector.broadcast %sub3A : i32 to vector<512x8xi32>
    %sub3A_281 = arith.subi %div3A_257, %sub3A_280 : vector<512x8xi32>
    %select_n3A_282 = arith.select %and3A_279, %sub3A_281, %div3A_257 : vector<512x8xi1>, vector<512x8xi32>
    %add3A = arith.addi %mul3A_255, %select_n3A_282 : vector<512x8xi32>
    %swap3A_283 = arith.constant 0 : index
    %swap3A_284 = arith.constant 0 : index
    %swap3A_285 = vector.load %arg2[%swap3A_283, %swap3A_284] : memref<512x8xi32, #tpu.memory_space<vmem>>, vector<512x8xi32>
    tpu.vector_store %arg2[%swap3A_283, %swap3A_284], %add3A {strides = array<i32>} : memref<512x8xi32, #tpu.memory_space<vmem>>, vector<512x8xi32>,
    return
  }
}

module attributes {stable_mosaic.version = 14 : i64} {
  func.func @_stats_body(%arg0: i32, %arg1: memref<1x8x100000xf32, #tpu.memory_space<vmem>>, %arg2: memref<1x8x125xf32, #tpu.memory_space<vmem>>, %arg3: memref<1x8x1xf32, #tpu.memory_space<vmem>>, %arg4: memref<1x8x1xf32, #tpu.memory_space<vmem>>) attributes {dimension_semantics = [#tpu.dimension_semantics<arbitrary>], iteration_bounds = array<i64: 64>, scalar_prefetch = 0 : i64, scratch_operands = 0 : i64, tpu.core_type = #tpu.core_type<tc>, window_params = [{transform_indices = @transform_0, window_bounds = array<i64: 1, 8, 100000>}, {transform_indices = @transform_1, window_bounds = array<i64: 1, 8, 125>}, {transform_indices = @transform_2, window_bounds = array<i64: 1, 8, 1>}, {transform_indices = @transform_3, window_bounds = array<i64: 1, 8, 1>}]} {
    %get3A = arith.constant 0 : index
    %get3A_0 = arith.constant 0 : index
    %get3A_1 = arith.constant 0 : index
    %get3A_2 = vector.load %arg1[%get3A, %get3A_0, %get3A_1] : memref<1x8x100000xf32, #tpu.memory_space<vmem>>, vector<1x8x100000xf32>
    %get3A_3 = vector.shape_cast %get3A_2 : vector<1x8x100000xf32> to vector<8x100000xf32>
    %slice3A = vector.extract_strided_slice %get3A_3 {offsets = [0, 0], sizes = [8, 800], strides = [1, 1]} : vector<8x100000xf32> to vector<8x800xf32>
    %reduce_max3A = arith.constant dense<0xFF800000> : vector<8xf32>
    %reduce_max3A_4 = vector.multi_reduction <maximumf>, %slice3A, %reduce_max3A [1] : vector<8x800xf32> to vector<8xf32>
    %broadcast_in_dim3A = vector.shape_cast %reduce_max3A_4 : vector<8xf32> to vector<8x1xf32>
    %slice3A_5 = vector.extract_strided_slice %get3A_3 {offsets = [0, 800], sizes = [8, 800], strides = [1, 1]} : vector<8x100000xf32> to vector<8x800xf32>
    %reduce_max3A_6 = arith.constant dense<0xFF800000> : vector<8xf32>
    %reduce_max3A_7 = vector.multi_reduction <maximumf>, %slice3A_5, %reduce_max3A_6 [1] : vector<8x800xf32> to vector<8xf32>
    %broadcast_in_dim3A_8 = vector.shape_cast %reduce_max3A_7 : vector<8xf32> to vector<8x1xf32>
    %slice3A_9 = vector.extract_strided_slice %get3A_3 {offsets = [0, 1600], sizes = [8, 800], strides = [1, 1]} : vector<8x100000xf32> to vector<8x800xf32>
    %reduce_max3A_10 = arith.constant dense<0xFF800000> : vector<8xf32>
    %reduce_max3A_11 = vector.multi_reduction <maximumf>, %slice3A_9, %reduce_max3A_10 [1] : vector<8x800xf32> to vector<8xf32>
    %broadcast_in_dim3A_12 = vector.shape_cast %reduce_max3A_11 : vector<8xf32> to vector<8x1xf32>
    %slice3A_13 = vector.extract_strided_slice %get3A_3 {offsets = [0, 2400], sizes = [8, 800], strides = [1, 1]} : vector<8x100000xf32> to vector<8x800xf32>
    %reduce_max3A_14 = arith.constant dense<0xFF800000> : vector<8xf32>
    %reduce_max3A_15 = vector.multi_reduction <maximumf>, %slice3A_13, %reduce_max3A_14 [1] : vector<8x800xf32> to vector<8xf32>
    %broadcast_in_dim3A_16 = vector.shape_cast %reduce_max3A_15 : vector<8xf32> to vector<8x1xf32>
    %slice3A_17 = vector.extract_strided_slice %get3A_3 {offsets = [0, 3200], sizes = [8, 800], strides = [1, 1]} : vector<8x100000xf32> to vector<8x800xf32>
    %reduce_max3A_18 = arith.constant dense<0xFF800000> : vector<8xf32>
    %reduce_max3A_19 = vector.multi_reduction <maximumf>, %slice3A_17, %reduce_max3A_18 [1] : vector<8x800xf32> to vector<8xf32>
    %broadcast_in_dim3A_20 = vector.shape_cast %reduce_max3A_19 : vector<8xf32> to vector<8x1xf32>
    %slice3A_21 = vector.extract_strided_slice %get3A_3 {offsets = [0, 4000], sizes = [8, 800], strides = [1, 1]} : vector<8x100000xf32> to vector<8x800xf32>
    %reduce_max3A_22 = arith.constant dense<0xFF800000> : vector<8xf32>
    %reduce_max3A_23 = vector.multi_reduction <maximumf>, %slice3A_21, %reduce_max3A_22 [1] : vector<8x800xf32> to vector<8xf32>
    %broadcast_in_dim3A_24 = vector.shape_cast %reduce_max3A_23 : vector<8xf32> to vector<8x1xf32>
    %slice3A_25 = vector.extract_strided_slice %get3A_3 {offsets = [0, 4800], sizes = [8, 800], strides = [1, 1]} : vector<8x100000xf32> to vector<8x800xf32>
    %reduce_max3A_26 = arith.constant dense<0xFF800000> : vector<8xf32>
    %reduce_max3A_27 = vector.multi_reduction <maximumf>, %slice3A_25, %reduce_max3A_26 [1] : vector<8x800xf32> to vector<8xf32>
    %broadcast_in_dim3A_28 = vector.shape_cast %reduce_max3A_27 : vector<8xf32> to vector<8x1xf32>
    %slice3A_29 = vector.extract_strided_slice %get3A_3 {offsets = [0, 5600], sizes = [8, 800], strides = [1, 1]} : vector<8x100000xf32> to vector<8x800xf32>
    %reduce_max3A_30 = arith.constant dense<0xFF800000> : vector<8xf32>
    %reduce_max3A_31 = vector.multi_reduction <maximumf>, %slice3A_29, %reduce_max3A_30 [1] : vector<8x800xf32> to vector<8xf32>
    %broadcast_in_dim3A_32 = vector.shape_cast %reduce_max3A_31 : vector<8xf32> to vector<8x1xf32>
    %slice3A_33 = vector.extract_strided_slice %get3A_3 {offsets = [0, 6400], sizes = [8, 800], strides = [1, 1]} : vector<8x100000xf32> to vector<8x800xf32>
    %reduce_max3A_34 = arith.constant dense<0xFF800000> : vector<8xf32>
    %reduce_max3A_35 = vector.multi_reduction <maximumf>, %slice3A_33, %reduce_max3A_34 [1] : vector<8x800xf32> to vector<8xf32>
    %broadcast_in_dim3A_36 = vector.shape_cast %reduce_max3A_35 : vector<8xf32> to vector<8x1xf32>
    %slice3A_37 = vector.extract_strided_slice %get3A_3 {offsets = [0, 7200], sizes = [8, 800], strides = [1, 1]} : vector<8x100000xf32> to vector<8x800xf32>
    %reduce_max3A_38 = arith.constant dense<0xFF800000> : vector<8xf32>
    %reduce_max3A_39 = vector.multi_reduction <maximumf>, %slice3A_37, %reduce_max3A_38 [1] : vector<8x800xf32> to vector<8xf32>
    %broadcast_in_dim3A_40 = vector.shape_cast %reduce_max3A_39 : vector<8xf32> to vector<8x1xf32>
    %slice3A_41 = vector.extract_strided_slice %get3A_3 {offsets = [0, 8000], sizes = [8, 800], strides = [1, 1]} : vector<8x100000xf32> to vector<8x800xf32>
    %reduce_max3A_42 = arith.constant dense<0xFF800000> : vector<8xf32>
    %reduce_max3A_43 = vector.multi_reduction <maximumf>, %slice3A_41, %reduce_max3A_42 [1] : vector<8x800xf32> to vector<8xf32>
    %broadcast_in_dim3A_44 = vector.shape_cast %reduce_max3A_43 : vector<8xf32> to vector<8x1xf32>
    %slice3A_45 = vector.extract_strided_slice %get3A_3 {offsets = [0, 8800], sizes = [8, 800], strides = [1, 1]} : vector<8x100000xf32> to vector<8x800xf32>
    %reduce_max3A_46 = arith.constant dense<0xFF800000> : vector<8xf32>
    %reduce_max3A_47 = vector.multi_reduction <maximumf>, %slice3A_45, %reduce_max3A_46 [1] : vector<8x800xf32> to vector<8xf32>
    %broadcast_in_dim3A_48 = vector.shape_cast %reduce_max3A_47 : vector<8xf32> to vector<8x1xf32>
    %slice3A_49 = vector.extract_strided_slice %get3A_3 {offsets = [0, 9600], sizes = [8, 800], strides = [1, 1]} : vector<8x100000xf32> to vector<8x800xf32>
    %reduce_max3A_50 = arith.constant dense<0xFF800000> : vector<8xf32>
    %reduce_max3A_51 = vector.multi_reduction <maximumf>, %slice3A_49, %reduce_max3A_50 [1] : vector<8x800xf32> to vector<8xf32>
    %broadcast_in_dim3A_52 = vector.shape_cast %reduce_max3A_51 : vector<8xf32> to vector<8x1xf32>
    %slice3A_53 = vector.extract_strided_slice %get3A_3 {offsets = [0, 10400], sizes = [8, 800], strides = [1, 1]} : vector<8x100000xf32> to vector<8x800xf32>
    %reduce_max3A_54 = arith.constant dense<0xFF800000> : vector<8xf32>
    %reduce_max3A_55 = vector.multi_reduction <maximumf>, %slice3A_53, %reduce_max3A_54 [1] : vector<8x800xf32> to vector<8xf32>
    %broadcast_in_dim3A_56 = vector.shape_cast %reduce_max3A_55 : vector<8xf32> to vector<8x1xf32>
    %slice3A_57 = vector.extract_strided_slice %get3A_3 {offsets = [0, 11200], sizes = [8, 800], strides = [1, 1]} : vector<8x100000xf32> to vector<8x800xf32>
    %reduce_max3A_58 = arith.constant dense<0xFF800000> : vector<8xf32>
    %reduce_max3A_59 = vector.multi_reduction <maximumf>, %slice3A_57, %reduce_max3A_58 [1] : vector<8x800xf32> to vector<8xf32>
    %broadcast_in_dim3A_60 = vector.shape_cast %reduce_max3A_59 : vector<8xf32> to vector<8x1xf32>
    %slice3A_61 = vector.extract_strided_slice %get3A_3 {offsets = [0, 12000], sizes = [8, 800], strides = [1, 1]} : vector<8x100000xf32> to vector<8x800xf32>
    %reduce_max3A_62 = arith.constant dense<0xFF800000> : vector<8xf32>
    %reduce_max3A_63 = vector.multi_reduction <maximumf>, %slice3A_61, %reduce_max3A_62 [1] : vector<8x800xf32> to vector<8xf32>
    %broadcast_in_dim3A_64 = vector.shape_cast %reduce_max3A_63 : vector<8xf32> to vector<8x1xf32>
    %slice3A_65 = vector.extract_strided_slice %get3A_3 {offsets = [0, 12800], sizes = [8, 800], strides = [1, 1]} : vector<8x100000xf32> to vector<8x800xf32>
    %reduce_max3A_66 = arith.constant dense<0xFF800000> : vector<8xf32>
    %reduce_max3A_67 = vector.multi_reduction <maximumf>, %slice3A_65, %reduce_max3A_66 [1] : vector<8x800xf32> to vector<8xf32>
    %broadcast_in_dim3A_68 = vector.shape_cast %reduce_max3A_67 : vector<8xf32> to vector<8x1xf32>
    %slice3A_69 = vector.extract_strided_slice %get3A_3 {offsets = [0, 13600], sizes = [8, 800], strides = [1, 1]} : vector<8x100000xf32> to vector<8x800xf32>
    %reduce_max3A_70 = arith.constant dense<0xFF800000> : vector<8xf32>
    %reduce_max3A_71 = vector.multi_reduction <maximumf>, %slice3A_69, %reduce_max3A_70 [1] : vector<8x800xf32> to vector<8xf32>
    %broadcast_in_dim3A_72 = vector.shape_cast %reduce_max3A_71 : vector<8xf32> to vector<8x1xf32>
    %slice3A_73 = vector.extract_strided_slice %get3A_3 {offsets = [0, 14400], sizes = [8, 800], strides = [1, 1]} : vector<8x100000xf32> to vector<8x800xf32>
    %reduce_max3A_74 = arith.constant dense<0xFF800000> : vector<8xf32>
    %reduce_max3A_75 = vector.multi_reduction <maximumf>, %slice3A_73, %reduce_max3A_74 [1] : vector<8x800xf32> to vector<8xf32>
    %broadcast_in_dim3A_76 = vector.shape_cast %reduce_max3A_75 : vector<8xf32> to vector<8x1xf32>
    %slice3A_77 = vector.extract_strided_slice %get3A_3 {offsets = [0, 15200], sizes = [8, 800], strides = [1, 1]} : vector<8x100000xf32> to vector<8x800xf32>
    %reduce_max3A_78 = arith.constant dense<0xFF800000> : vector<8xf32>
    %reduce_max3A_79 = vector.multi_reduction <maximumf>, %slice3A_77, %reduce_max3A_78 [1] : vector<8x800xf32> to vector<8xf32>
    %broadcast_in_dim3A_80 = vector.shape_cast %reduce_max3A_79 : vector<8xf32> to vector<8x1xf32>
    %slice3A_81 = vector.extract_strided_slice %get3A_3 {offsets = [0, 16000], sizes = [8, 800], strides = [1, 1]} : vector<8x100000xf32> to vector<8x800xf32>
    %reduce_max3A_82 = arith.constant dense<0xFF800000> : vector<8xf32>
    %reduce_max3A_83 = vector.multi_reduction <maximumf>, %slice3A_81, %reduce_max3A_82 [1] : vector<8x800xf32> to vector<8xf32>
    %broadcast_in_dim3A_84 = vector.shape_cast %reduce_max3A_83 : vector<8xf32> to vector<8x1xf32>
    %slice3A_85 = vector.extract_strided_slice %get3A_3 {offsets = [0, 16800], sizes = [8, 800], strides = [1, 1]} : vector<8x100000xf32> to vector<8x800xf32>
    %reduce_max3A_86 = arith.constant dense<0xFF800000> : vector<8xf32>
    %reduce_max3A_87 = vector.multi_reduction <maximumf>, %slice3A_85, %reduce_max3A_86 [1] : vector<8x800xf32> to vector<8xf32>
    %broadcast_in_dim3A_88 = vector.shape_cast %reduce_max3A_87 : vector<8xf32> to vector<8x1xf32>
    %slice3A_89 = vector.extract_strided_slice %get3A_3 {offsets = [0, 17600], sizes = [8, 800], strides = [1, 1]} : vector<8x100000xf32> to vector<8x800xf32>
    %reduce_max3A_90 = arith.constant dense<0xFF800000> : vector<8xf32>
    %reduce_max3A_91 = vector.multi_reduction <maximumf>, %slice3A_89, %reduce_max3A_90 [1] : vector<8x800xf32> to vector<8xf32>
    %broadcast_in_dim3A_92 = vector.shape_cast %reduce_max3A_91 : vector<8xf32> to vector<8x1xf32>
    %slice3A_93 = vector.extract_strided_slice %get3A_3 {offsets = [0, 18400], sizes = [8, 800], strides = [1, 1]} : vector<8x100000xf32> to vector<8x800xf32>
    %reduce_max3A_94 = arith.constant dense<0xFF800000> : vector<8xf32>
    %reduce_max3A_95 = vector.multi_reduction <maximumf>, %slice3A_93, %reduce_max3A_94 [1] : vector<8x800xf32> to vector<8xf32>
    %broadcast_in_dim3A_96 = vector.shape_cast %reduce_max3A_95 : vector<8xf32> to vector<8x1xf32>
    %slice3A_97 = vector.extract_strided_slice %get3A_3 {offsets = [0, 19200], sizes = [8, 800], strides = [1, 1]} : vector<8x100000xf32> to vector<8x800xf32>
    %reduce_max3A_98 = arith.constant dense<0xFF800000> : vector<8xf32>
    %reduce_max3A_99 = vector.multi_reduction <maximumf>, %slice3A_97, %reduce_max3A_98 [1] : vector<8x800xf32> to vector<8xf32>
    %broadcast_in_dim3A_100 = vector.shape_cast %reduce_max3A_99 : vector<8xf32> to vector<8x1xf32>
    %slice3A_101 = vector.extract_strided_slice %get3A_3 {offsets = [0, 20000], sizes = [8, 800], strides = [1, 1]} : vector<8x100000xf32> to vector<8x800xf32>
    %reduce_max3A_102 = arith.constant dense<0xFF800000> : vector<8xf32>
    %reduce_max3A_103 = vector.multi_reduction <maximumf>, %slice3A_101, %reduce_max3A_102 [1] : vector<8x800xf32> to vector<8xf32>
    %broadcast_in_dim3A_104 = vector.shape_cast %reduce_max3A_103 : vector<8xf32> to vector<8x1xf32>
    %slice3A_105 = vector.extract_strided_slice %get3A_3 {offsets = [0, 20800], sizes = [8, 800], strides = [1, 1]} : vector<8x100000xf32> to vector<8x800xf32>
    %reduce_max3A_106 = arith.constant dense<0xFF800000> : vector<8xf32>
    %reduce_max3A_107 = vector.multi_reduction <maximumf>, %slice3A_105, %reduce_max3A_106 [1] : vector<8x800xf32> to vector<8xf32>
    %broadcast_in_dim3A_108 = vector.shape_cast %reduce_max3A_107 : vector<8xf32> to vector<8x1xf32>
    %slice3A_109 = vector.extract_strided_slice %get3A_3 {offsets = [0, 21600], sizes = [8, 800], strides = [1, 1]} : vector<8x100000xf32> to vector<8x800xf32>
    %reduce_max3A_110 = arith.constant dense<0xFF800000> : vector<8xf32>
    %reduce_max3A_111 = vector.multi_reduction <maximumf>, %slice3A_109, %reduce_max3A_110 [1] : vector<8x800xf32> to vector<8xf32>
    %broadcast_in_dim3A_112 = vector.shape_cast %reduce_max3A_111 : vector<8xf32> to vector<8x1xf32>
    %slice3A_113 = vector.extract_strided_slice %get3A_3 {offsets = [0, 22400], sizes = [8, 800], strides = [1, 1]} : vector<8x100000xf32> to vector<8x800xf32>
    %reduce_max3A_114 = arith.constant dense<0xFF800000> : vector<8xf32>
    %reduce_max3A_115 = vector.multi_reduction <maximumf>, %slice3A_113, %reduce_max3A_114 [1] : vector<8x800xf32> to vector<8xf32>
    %broadcast_in_dim3A_116 = vector.shape_cast %reduce_max3A_115 : vector<8xf32> to vector<8x1xf32>
    %slice3A_117 = vector.extract_strided_slice %get3A_3 {offsets = [0, 23200], sizes = [8, 800], strides = [1, 1]} : vector<8x100000xf32> to vector<8x800xf32>
    %reduce_max3A_118 = arith.constant dense<0xFF800000> : vector<8xf32>
    %reduce_max3A_119 = vector.multi_reduction <maximumf>, %slice3A_117, %reduce_max3A_118 [1] : vector<8x800xf32> to vector<8xf32>
    %broadcast_in_dim3A_120 = vector.shape_cast %reduce_max3A_119 : vector<8xf32> to vector<8x1xf32>
    %slice3A_121 = vector.extract_strided_slice %get3A_3 {offsets = [0, 24000], sizes = [8, 800], strides = [1, 1]} : vector<8x100000xf32> to vector<8x800xf32>
    %reduce_max3A_122 = arith.constant dense<0xFF800000> : vector<8xf32>
    %reduce_max3A_123 = vector.multi_reduction <maximumf>, %slice3A_121, %reduce_max3A_122 [1] : vector<8x800xf32> to vector<8xf32>
    %broadcast_in_dim3A_124 = vector.shape_cast %reduce_max3A_123 : vector<8xf32> to vector<8x1xf32>
    %slice3A_125 = vector.extract_strided_slice %get3A_3 {offsets = [0, 24800], sizes = [8, 800], strides = [1, 1]} : vector<8x100000xf32> to vector<8x800xf32>
    %reduce_max3A_126 = arith.constant dense<0xFF800000> : vector<8xf32>
    %reduce_max3A_127 = vector.multi_reduction <maximumf>, %slice3A_125, %reduce_max3A_126 [1] : vector<8x800xf32> to vector<8xf32>
    %broadcast_in_dim3A_128 = vector.shape_cast %reduce_max3A_127 : vector<8xf32> to vector<8x1xf32>
    %slice3A_129 = vector.extract_strided_slice %get3A_3 {offsets = [0, 25600], sizes = [8, 800], strides = [1, 1]} : vector<8x100000xf32> to vector<8x800xf32>
    %reduce_max3A_130 = arith.constant dense<0xFF800000> : vector<8xf32>
    %reduce_max3A_131 = vector.multi_reduction <maximumf>, %slice3A_129, %reduce_max3A_130 [1] : vector<8x800xf32> to vector<8xf32>
    %broadcast_in_dim3A_132 = vector.shape_cast %reduce_max3A_131 : vector<8xf32> to vector<8x1xf32>
    %slice3A_133 = vector.extract_strided_slice %get3A_3 {offsets = [0, 26400], sizes = [8, 800], strides = [1, 1]} : vector<8x100000xf32> to vector<8x800xf32>
    %reduce_max3A_134 = arith.constant dense<0xFF800000> : vector<8xf32>
    %reduce_max3A_135 = vector.multi_reduction <maximumf>, %slice3A_133, %reduce_max3A_134 [1] : vector<8x800xf32> to vector<8xf32>
    %broadcast_in_dim3A_136 = vector.shape_cast %reduce_max3A_135 : vector<8xf32> to vector<8x1xf32>
    %slice3A_137 = vector.extract_strided_slice %get3A_3 {offsets = [0, 27200], sizes = [8, 800], strides = [1, 1]} : vector<8x100000xf32> to vector<8x800xf32>
    %reduce_max3A_138 = arith.constant dense<0xFF800000> : vector<8xf32>
    %reduce_max3A_139 = vector.multi_reduction <maximumf>, %slice3A_137, %reduce_max3A_138 [1] : vector<8x800xf32> to vector<8xf32>
    %broadcast_in_dim3A_140 = vector.shape_cast %reduce_max3A_139 : vector<8xf32> to vector<8x1xf32>
    %slice3A_141 = vector.extract_strided_slice %get3A_3 {offsets = [0, 28000], sizes = [8, 800], strides = [1, 1]} : vector<8x100000xf32> to vector<8x800xf32>
    %reduce_max3A_142 = arith.constant dense<0xFF800000> : vector<8xf32>
    %reduce_max3A_143 = vector.multi_reduction <maximumf>, %slice3A_141, %reduce_max3A_142 [1] : vector<8x800xf32> to vector<8xf32>
    %broadcast_in_dim3A_144 = vector.shape_cast %reduce_max3A_143 : vector<8xf32> to vector<8x1xf32>
    %slice3A_145 = vector.extract_strided_slice %get3A_3 {offsets = [0, 28800], sizes = [8, 800], strides = [1, 1]} : vector<8x100000xf32> to vector<8x800xf32>
    %reduce_max3A_146 = arith.constant dense<0xFF800000> : vector<8xf32>
    %reduce_max3A_147 = vector.multi_reduction <maximumf>, %slice3A_145, %reduce_max3A_146 [1] : vector<8x800xf32> to vector<8xf32>
    %broadcast_in_dim3A_148 = vector.shape_cast %reduce_max3A_147 : vector<8xf32> to vector<8x1xf32>
    %slice3A_149 = vector.extract_strided_slice %get3A_3 {offsets = [0, 29600], sizes = [8, 800], strides = [1, 1]} : vector<8x100000xf32> to vector<8x800xf32>
    %reduce_max3A_150 = arith.constant dense<0xFF800000> : vector<8xf32>
    %reduce_max3A_151 = vector.multi_reduction <maximumf>, %slice3A_149, %reduce_max3A_150 [1] : vector<8x800xf32> to vector<8xf32>
    %broadcast_in_dim3A_152 = vector.shape_cast %reduce_max3A_151 : vector<8xf32> to vector<8x1xf32>
    %slice3A_153 = vector.extract_strided_slice %get3A_3 {offsets = [0, 30400], sizes = [8, 800], strides = [1, 1]} : vector<8x100000xf32> to vector<8x800xf32>
    %reduce_max3A_154 = arith.constant dense<0xFF800000> : vector<8xf32>
    %reduce_max3A_155 = vector.multi_reduction <maximumf>, %slice3A_153, %reduce_max3A_154 [1] : vector<8x800xf32> to vector<8xf32>
    %broadcast_in_dim3A_156 = vector.shape_cast %reduce_max3A_155 : vector<8xf32> to vector<8x1xf32>
    %slice3A_157 = vector.extract_strided_slice %get3A_3 {offsets = [0, 31200], sizes = [8, 800], strides = [1, 1]} : vector<8x100000xf32> to vector<8x800xf32>
    %reduce_max3A_158 = arith.constant dense<0xFF800000> : vector<8xf32>
    %reduce_max3A_159 = vector.multi_reduction <maximumf>, %slice3A_157, %reduce_max3A_158 [1] : vector<8x800xf32> to vector<8xf32>
    %broadcast_in_dim3A_160 = vector.shape_cast %reduce_max3A_159 : vector<8xf32> to vector<8x1xf32>
    %slice3A_161 = vector.extract_strided_slice %get3A_3 {offsets = [0, 32000], sizes = [8, 800], strides = [1, 1]} : vector<8x100000xf32> to vector<8x800xf32>
    %reduce_max3A_162 = arith.constant dense<0xFF800000> : vector<8xf32>
    %reduce_max3A_163 = vector.multi_reduction <maximumf>, %slice3A_161, %reduce_max3A_162 [1] : vector<8x800xf32> to vector<8xf32>
    %broadcast_in_dim3A_164 = vector.shape_cast %reduce_max3A_163 : vector<8xf32> to vector<8x1xf32>
    %slice3A_165 = vector.extract_strided_slice %get3A_3 {offsets = [0, 32800], sizes = [8, 800], strides = [1, 1]} : vector<8x100000xf32> to vector<8x800xf32>
    %reduce_max3A_166 = arith.constant dense<0xFF800000> : vector<8xf32>
    %reduce_max3A_167 = vector.multi_reduction <maximumf>, %slice3A_165, %reduce_max3A_166 [1] : vector<8x800xf32> to vector<8xf32>
    %broadcast_in_dim3A_168 = vector.shape_cast %reduce_max3A_167 : vector<8xf32> to vector<8x1xf32>
    %slice3A_169 = vector.extract_strided_slice %get3A_3 {offsets = [0, 33600], sizes = [8, 800], strides = [1, 1]} : vector<8x100000xf32> to vector<8x800xf32>
    %reduce_max3A_170 = arith.constant dense<0xFF800000> : vector<8xf32>
    %reduce_max3A_171 = vector.multi_reduction <maximumf>, %slice3A_169, %reduce_max3A_170 [1] : vector<8x800xf32> to vector<8xf32>
    %broadcast_in_dim3A_172 = vector.shape_cast %reduce_max3A_171 : vector<8xf32> to vector<8x1xf32>
    %slice3A_173 = vector.extract_strided_slice %get3A_3 {offsets = [0, 34400], sizes = [8, 800], strides = [1, 1]} : vector<8x100000xf32> to vector<8x800xf32>
    %reduce_max3A_174 = arith.constant dense<0xFF800000> : vector<8xf32>
    %reduce_max3A_175 = vector.multi_reduction <maximumf>, %slice3A_173, %reduce_max3A_174 [1] : vector<8x800xf32> to vector<8xf32>
    %broadcast_in_dim3A_176 = vector.shape_cast %reduce_max3A_175 : vector<8xf32> to vector<8x1xf32>
    %slice3A_177 = vector.extract_strided_slice %get3A_3 {offsets = [0, 35200], sizes = [8, 800], strides = [1, 1]} : vector<8x100000xf32> to vector<8x800xf32>
    %reduce_max3A_178 = arith.constant dense<0xFF800000> : vector<8xf32>
    %reduce_max3A_179 = vector.multi_reduction <maximumf>, %slice3A_177, %reduce_max3A_178 [1] : vector<8x800xf32> to vector<8xf32>
    %broadcast_in_dim3A_180 = vector.shape_cast %reduce_max3A_179 : vector<8xf32> to vector<8x1xf32>
    %slice3A_181 = vector.extract_strided_slice %get3A_3 {offsets = [0, 36000], sizes = [8, 800], strides = [1, 1]} : vector<8x100000xf32> to vector<8x800xf32>
    %reduce_max3A_182 = arith.constant dense<0xFF800000> : vector<8xf32>
    %reduce_max3A_183 = vector.multi_reduction <maximumf>, %slice3A_181, %reduce_max3A_182 [1] : vector<8x800xf32> to vector<8xf32>
    %broadcast_in_dim3A_184 = vector.shape_cast %reduce_max3A_183 : vector<8xf32> to vector<8x1xf32>
    %slice3A_185 = vector.extract_strided_slice %get3A_3 {offsets = [0, 36800], sizes = [8, 800], strides = [1, 1]} : vector<8x100000xf32> to vector<8x800xf32>
    %reduce_max3A_186 = arith.constant dense<0xFF800000> : vector<8xf32>
    %reduce_max3A_187 = vector.multi_reduction <maximumf>, %slice3A_185, %reduce_max3A_186 [1] : vector<8x800xf32> to vector<8xf32>
    %broadcast_in_dim3A_188 = vector.shape_cast %reduce_max3A_187 : vector<8xf32> to vector<8x1xf32>
    %slice3A_189 = vector.extract_strided_slice %get3A_3 {offsets = [0, 37600], sizes = [8, 800], strides = [1, 1]} : vector<8x100000xf32> to vector<8x800xf32>
    %reduce_max3A_190 = arith.constant dense<0xFF800000> : vector<8xf32>
    %reduce_max3A_191 = vector.multi_reduction <maximumf>, %slice3A_189, %reduce_max3A_190 [1] : vector<8x800xf32> to vector<8xf32>
    %broadcast_in_dim3A_192 = vector.shape_cast %reduce_max3A_191 : vector<8xf32> to vector<8x1xf32>
    %slice3A_193 = vector.extract_strided_slice %get3A_3 {offsets = [0, 38400], sizes = [8, 800], strides = [1, 1]} : vector<8x100000xf32> to vector<8x800xf32>
    %reduce_max3A_194 = arith.constant dense<0xFF800000> : vector<8xf32>
    %reduce_max3A_195 = vector.multi_reduction <maximumf>, %slice3A_193, %reduce_max3A_194 [1] : vector<8x800xf32> to vector<8xf32>
    %broadcast_in_dim3A_196 = vector.shape_cast %reduce_max3A_195 : vector<8xf32> to vector<8x1xf32>
    %slice3A_197 = vector.extract_strided_slice %get3A_3 {offsets = [0, 39200], sizes = [8, 800], strides = [1, 1]} : vector<8x100000xf32> to vector<8x800xf32>
    %reduce_max3A_198 = arith.constant dense<0xFF800000> : vector<8xf32>
    %reduce_max3A_199 = vector.multi_reduction <maximumf>, %slice3A_197, %reduce_max3A_198 [1] : vector<8x800xf32> to vector<8xf32>
    %broadcast_in_dim3A_200 = vector.shape_cast %reduce_max3A_199 : vector<8xf32> to vector<8x1xf32>
    %slice3A_201 = vector.extract_strided_slice %get3A_3 {offsets = [0, 40000], sizes = [8, 800], strides = [1, 1]} : vector<8x100000xf32> to vector<8x800xf32>
    %reduce_max3A_202 = arith.constant dense<0xFF800000> : vector<8xf32>
    %reduce_max3A_203 = vector.multi_reduction <maximumf>, %slice3A_201, %reduce_max3A_202 [1] : vector<8x800xf32> to vector<8xf32>
    %broadcast_in_dim3A_204 = vector.shape_cast %reduce_max3A_203 : vector<8xf32> to vector<8x1xf32>
    %slice3A_205 = vector.extract_strided_slice %get3A_3 {offsets = [0, 40800], sizes = [8, 800], strides = [1, 1]} : vector<8x100000xf32> to vector<8x800xf32>
    %reduce_max3A_206 = arith.constant dense<0xFF800000> : vector<8xf32>
    %reduce_max3A_207 = vector.multi_reduction <maximumf>, %slice3A_205, %reduce_max3A_206 [1] : vector<8x800xf32> to vector<8xf32>
    %broadcast_in_dim3A_208 = vector.shape_cast %reduce_max3A_207 : vector<8xf32> to vector<8x1xf32>
    %slice3A_209 = vector.extract_strided_slice %get3A_3 {offsets = [0, 41600], sizes = [8, 800], strides = [1, 1]} : vector<8x100000xf32> to vector<8x800xf32>
    %reduce_max3A_210 = arith.constant dense<0xFF800000> : vector<8xf32>
    %reduce_max3A_211 = vector.multi_reduction <maximumf>, %slice3A_209, %reduce_max3A_210 [1] : vector<8x800xf32> to vector<8xf32>
    %broadcast_in_dim3A_212 = vector.shape_cast %reduce_max3A_211 : vector<8xf32> to vector<8x1xf32>
    %slice3A_213 = vector.extract_strided_slice %get3A_3 {offsets = [0, 42400], sizes = [8, 800], strides = [1, 1]} : vector<8x100000xf32> to vector<8x800xf32>
    %reduce_max3A_214 = arith.constant dense<0xFF800000> : vector<8xf32>
    %reduce_max3A_215 = vector.multi_reduction <maximumf>, %slice3A_213, %reduce_max3A_214 [1] : vector<8x800xf32> to vector<8xf32>
    %broadcast_in_dim3A_216 = vector.shape_cast %reduce_max3A_215 : vector<8xf32> to vector<8x1xf32>
    %slice3A_217 = vector.extract_strided_slice %get3A_3 {offsets = [0, 43200], sizes = [8, 800], strides = [1, 1]} : vector<8x100000xf32> to vector<8x800xf32>
    %reduce_max3A_218 = arith.constant dense<0xFF800000> : vector<8xf32>
    %reduce_max3A_219 = vector.multi_reduction <maximumf>, %slice3A_217, %reduce_max3A_218 [1] : vector<8x800xf32> to vector<8xf32>
    %broadcast_in_dim3A_220 = vector.shape_cast %reduce_max3A_219 : vector<8xf32> to vector<8x1xf32>
    %slice3A_221 = vector.extract_strided_slice %get3A_3 {offsets = [0, 44000], sizes = [8, 800], strides = [1, 1]} : vector<8x100000xf32> to vector<8x800xf32>
    %reduce_max3A_222 = arith.constant dense<0xFF800000> : vector<8xf32>
    %reduce_max3A_223 = vector.multi_reduction <maximumf>, %slice3A_221, %reduce_max3A_222 [1] : vector<8x800xf32> to vector<8xf32>
    %broadcast_in_dim3A_224 = vector.shape_cast %reduce_max3A_223 : vector<8xf32> to vector<8x1xf32>
    %slice3A_225 = vector.extract_strided_slice %get3A_3 {offsets = [0, 44800], sizes = [8, 800], strides = [1, 1]} : vector<8x100000xf32> to vector<8x800xf32>
    %reduce_max3A_226 = arith.constant dense<0xFF800000> : vector<8xf32>
    %reduce_max3A_227 = vector.multi_reduction <maximumf>, %slice3A_225, %reduce_max3A_226 [1] : vector<8x800xf32> to vector<8xf32>
    %broadcast_in_dim3A_228 = vector.shape_cast %reduce_max3A_227 : vector<8xf32> to vector<8x1xf32>
    %slice3A_229 = vector.extract_strided_slice %get3A_3 {offsets = [0, 45600], sizes = [8, 800], strides = [1, 1]} : vector<8x100000xf32> to vector<8x800xf32>
    %reduce_max3A_230 = arith.constant dense<0xFF800000> : vector<8xf32>
    %reduce_max3A_231 = vector.multi_reduction <maximumf>, %slice3A_229, %reduce_max3A_230 [1] : vector<8x800xf32> to vector<8xf32>
    %broadcast_in_dim3A_232 = vector.shape_cast %reduce_max3A_231 : vector<8xf32> to vector<8x1xf32>
    %slice3A_233 = vector.extract_strided_slice %get3A_3 {offsets = [0, 46400], sizes = [8, 800], strides = [1, 1]} : vector<8x100000xf32> to vector<8x800xf32>
    %reduce_max3A_234 = arith.constant dense<0xFF800000> : vector<8xf32>
    %reduce_max3A_235 = vector.multi_reduction <maximumf>, %slice3A_233, %reduce_max3A_234 [1] : vector<8x800xf32> to vector<8xf32>
    %broadcast_in_dim3A_236 = vector.shape_cast %reduce_max3A_235 : vector<8xf32> to vector<8x1xf32>
    %slice3A_237 = vector.extract_strided_slice %get3A_3 {offsets = [0, 47200], sizes = [8, 800], strides = [1, 1]} : vector<8x100000xf32> to vector<8x800xf32>
    %reduce_max3A_238 = arith.constant dense<0xFF800000> : vector<8xf32>
    %reduce_max3A_239 = vector.multi_reduction <maximumf>, %slice3A_237, %reduce_max3A_238 [1] : vector<8x800xf32> to vector<8xf32>
    %broadcast_in_dim3A_240 = vector.shape_cast %reduce_max3A_239 : vector<8xf32> to vector<8x1xf32>
    %slice3A_241 = vector.extract_strided_slice %get3A_3 {offsets = [0, 48000], sizes = [8, 800], strides = [1, 1]} : vector<8x100000xf32> to vector<8x800xf32>
    %reduce_max3A_242 = arith.constant dense<0xFF800000> : vector<8xf32>
    %reduce_max3A_243 = vector.multi_reduction <maximumf>, %slice3A_241, %reduce_max3A_242 [1] : vector<8x800xf32> to vector<8xf32>
    %broadcast_in_dim3A_244 = vector.shape_cast %reduce_max3A_243 : vector<8xf32> to vector<8x1xf32>
    %slice3A_245 = vector.extract_strided_slice %get3A_3 {offsets = [0, 48800], sizes = [8, 800], strides = [1, 1]} : vector<8x100000xf32> to vector<8x800xf32>
    %reduce_max3A_246 = arith.constant dense<0xFF800000> : vector<8xf32>
    %reduce_max3A_247 = vector.multi_reduction <maximumf>, %slice3A_245, %reduce_max3A_246 [1] : vector<8x800xf32> to vector<8xf32>
    %broadcast_in_dim3A_248 = vector.shape_cast %reduce_max3A_247 : vector<8xf32> to vector<8x1xf32>
    %slice3A_249 = vector.extract_strided_slice %get3A_3 {offsets = [0, 49600], sizes = [8, 800], strides = [1, 1]} : vector<8x100000xf32> to vector<8x800xf32>
    %reduce_max3A_250 = arith.constant dense<0xFF800000> : vector<8xf32>
    %reduce_max3A_251 = vector.multi_reduction <maximumf>, %slice3A_249, %reduce_max3A_250 [1] : vector<8x800xf32> to vector<8xf32>
    %broadcast_in_dim3A_252 = vector.shape_cast %reduce_max3A_251 : vector<8xf32> to vector<8x1xf32>
    %slice3A_253 = vector.extract_strided_slice %get3A_3 {offsets = [0, 50400], sizes = [8, 800], strides = [1, 1]} : vector<8x100000xf32> to vector<8x800xf32>
    %reduce_max3A_254 = arith.constant dense<0xFF800000> : vector<8xf32>
    %reduce_max3A_255 = vector.multi_reduction <maximumf>, %slice3A_253, %reduce_max3A_254 [1] : vector<8x800xf32> to vector<8xf32>
    %broadcast_in_dim3A_256 = vector.shape_cast %reduce_max3A_255 : vector<8xf32> to vector<8x1xf32>
    %slice3A_257 = vector.extract_strided_slice %get3A_3 {offsets = [0, 51200], sizes = [8, 800], strides = [1, 1]} : vector<8x100000xf32> to vector<8x800xf32>
    %reduce_max3A_258 = arith.constant dense<0xFF800000> : vector<8xf32>
    %reduce_max3A_259 = vector.multi_reduction <maximumf>, %slice3A_257, %reduce_max3A_258 [1] : vector<8x800xf32> to vector<8xf32>
    %broadcast_in_dim3A_260 = vector.shape_cast %reduce_max3A_259 : vector<8xf32> to vector<8x1xf32>
    %slice3A_261 = vector.extract_strided_slice %get3A_3 {offsets = [0, 52000], sizes = [8, 800], strides = [1, 1]} : vector<8x100000xf32> to vector<8x800xf32>
    %reduce_max3A_262 = arith.constant dense<0xFF800000> : vector<8xf32>
    %reduce_max3A_263 = vector.multi_reduction <maximumf>, %slice3A_261, %reduce_max3A_262 [1] : vector<8x800xf32> to vector<8xf32>
    %broadcast_in_dim3A_264 = vector.shape_cast %reduce_max3A_263 : vector<8xf32> to vector<8x1xf32>
    %slice3A_265 = vector.extract_strided_slice %get3A_3 {offsets = [0, 52800], sizes = [8, 800], strides = [1, 1]} : vector<8x100000xf32> to vector<8x800xf32>
    %reduce_max3A_266 = arith.constant dense<0xFF800000> : vector<8xf32>
    %reduce_max3A_267 = vector.multi_reduction <maximumf>, %slice3A_265, %reduce_max3A_266 [1] : vector<8x800xf32> to vector<8xf32>
    %broadcast_in_dim3A_268 = vector.shape_cast %reduce_max3A_267 : vector<8xf32> to vector<8x1xf32>
    %slice3A_269 = vector.extract_strided_slice %get3A_3 {offsets = [0, 53600], sizes = [8, 800], strides = [1, 1]} : vector<8x100000xf32> to vector<8x800xf32>
    %reduce_max3A_270 = arith.constant dense<0xFF800000> : vector<8xf32>
    %reduce_max3A_271 = vector.multi_reduction <maximumf>, %slice3A_269, %reduce_max3A_270 [1] : vector<8x800xf32> to vector<8xf32>
    %broadcast_in_dim3A_272 = vector.shape_cast %reduce_max3A_271 : vector<8xf32> to vector<8x1xf32>
    %slice3A_273 = vector.extract_strided_slice %get3A_3 {offsets = [0, 54400], sizes = [8, 800], strides = [1, 1]} : vector<8x100000xf32> to vector<8x800xf32>
    %reduce_max3A_274 = arith.constant dense<0xFF800000> : vector<8xf32>
    %reduce_max3A_275 = vector.multi_reduction <maximumf>, %slice3A_273, %reduce_max3A_274 [1] : vector<8x800xf32> to vector<8xf32>
    %broadcast_in_dim3A_276 = vector.shape_cast %reduce_max3A_275 : vector<8xf32> to vector<8x1xf32>
    %slice3A_277 = vector.extract_strided_slice %get3A_3 {offsets = [0, 55200], sizes = [8, 800], strides = [1, 1]} : vector<8x100000xf32> to vector<8x800xf32>
    %reduce_max3A_278 = arith.constant dense<0xFF800000> : vector<8xf32>
    %reduce_max3A_279 = vector.multi_reduction <maximumf>, %slice3A_277, %reduce_max3A_278 [1] : vector<8x800xf32> to vector<8xf32>
    %broadcast_in_dim3A_280 = vector.shape_cast %reduce_max3A_279 : vector<8xf32> to vector<8x1xf32>
    %slice3A_281 = vector.extract_strided_slice %get3A_3 {offsets = [0, 56000], sizes = [8, 800], strides = [1, 1]} : vector<8x100000xf32> to vector<8x800xf32>
    %reduce_max3A_282 = arith.constant dense<0xFF800000> : vector<8xf32>
    %reduce_max3A_283 = vector.multi_reduction <maximumf>, %slice3A_281, %reduce_max3A_282 [1] : vector<8x800xf32> to vector<8xf32>
    %broadcast_in_dim3A_284 = vector.shape_cast %reduce_max3A_283 : vector<8xf32> to vector<8x1xf32>
    %slice3A_285 = vector.extract_strided_slice %get3A_3 {offsets = [0, 56800], sizes = [8, 800], strides = [1, 1]} : vector<8x100000xf32> to vector<8x800xf32>
    %reduce_max3A_286 = arith.constant dense<0xFF800000> : vector<8xf32>
    %reduce_max3A_287 = vector.multi_reduction <maximumf>, %slice3A_285, %reduce_max3A_286 [1] : vector<8x800xf32> to vector<8xf32>
    %broadcast_in_dim3A_288 = vector.shape_cast %reduce_max3A_287 : vector<8xf32> to vector<8x1xf32>
    %slice3A_289 = vector.extract_strided_slice %get3A_3 {offsets = [0, 57600], sizes = [8, 800], strides = [1, 1]} : vector<8x100000xf32> to vector<8x800xf32>
    %reduce_max3A_290 = arith.constant dense<0xFF800000> : vector<8xf32>
    %reduce_max3A_291 = vector.multi_reduction <maximumf>, %slice3A_289, %reduce_max3A_290 [1] : vector<8x800xf32> to vector<8xf32>
    %broadcast_in_dim3A_292 = vector.shape_cast %reduce_max3A_291 : vector<8xf32> to vector<8x1xf32>
    %slice3A_293 = vector.extract_strided_slice %get3A_3 {offsets = [0, 58400], sizes = [8, 800], strides = [1, 1]} : vector<8x100000xf32> to vector<8x800xf32>
    %reduce_max3A_294 = arith.constant dense<0xFF800000> : vector<8xf32>
    %reduce_max3A_295 = vector.multi_reduction <maximumf>, %slice3A_293, %reduce_max3A_294 [1] : vector<8x800xf32> to vector<8xf32>
    %broadcast_in_dim3A_296 = vector.shape_cast %reduce_max3A_295 : vector<8xf32> to vector<8x1xf32>
    %slice3A_297 = vector.extract_strided_slice %get3A_3 {offsets = [0, 59200], sizes = [8, 800], strides = [1, 1]} : vector<8x100000xf32> to vector<8x800xf32>
    %reduce_max3A_298 = arith.constant dense<0xFF800000> : vector<8xf32>
    %reduce_max3A_299 = vector.multi_reduction <maximumf>, %slice3A_297, %reduce_max3A_298 [1] : vector<8x800xf32> to vector<8xf32>
    %broadcast_in_dim3A_300 = vector.shape_cast %reduce_max3A_299 : vector<8xf32> to vector<8x1xf32>
    %slice3A_301 = vector.extract_strided_slice %get3A_3 {offsets = [0, 60000], sizes = [8, 800], strides = [1, 1]} : vector<8x100000xf32> to vector<8x800xf32>
    %reduce_max3A_302 = arith.constant dense<0xFF800000> : vector<8xf32>
    %reduce_max3A_303 = vector.multi_reduction <maximumf>, %slice3A_301, %reduce_max3A_302 [1] : vector<8x800xf32> to vector<8xf32>
    %broadcast_in_dim3A_304 = vector.shape_cast %reduce_max3A_303 : vector<8xf32> to vector<8x1xf32>
    %slice3A_305 = vector.extract_strided_slice %get3A_3 {offsets = [0, 60800], sizes = [8, 800], strides = [1, 1]} : vector<8x100000xf32> to vector<8x800xf32>
    %reduce_max3A_306 = arith.constant dense<0xFF800000> : vector<8xf32>
    %reduce_max3A_307 = vector.multi_reduction <maximumf>, %slice3A_305, %reduce_max3A_306 [1] : vector<8x800xf32> to vector<8xf32>
    %broadcast_in_dim3A_308 = vector.shape_cast %reduce_max3A_307 : vector<8xf32> to vector<8x1xf32>
    %slice3A_309 = vector.extract_strided_slice %get3A_3 {offsets = [0, 61600], sizes = [8, 800], strides = [1, 1]} : vector<8x100000xf32> to vector<8x800xf32>
    %reduce_max3A_310 = arith.constant dense<0xFF800000> : vector<8xf32>
    %reduce_max3A_311 = vector.multi_reduction <maximumf>, %slice3A_309, %reduce_max3A_310 [1] : vector<8x800xf32> to vector<8xf32>
    %broadcast_in_dim3A_312 = vector.shape_cast %reduce_max3A_311 : vector<8xf32> to vector<8x1xf32>
    %slice3A_313 = vector.extract_strided_slice %get3A_3 {offsets = [0, 62400], sizes = [8, 800], strides = [1, 1]} : vector<8x100000xf32> to vector<8x800xf32>
    %reduce_max3A_314 = arith.constant dense<0xFF800000> : vector<8xf32>
    %reduce_max3A_315 = vector.multi_reduction <maximumf>, %slice3A_313, %reduce_max3A_314 [1] : vector<8x800xf32> to vector<8xf32>
    %broadcast_in_dim3A_316 = vector.shape_cast %reduce_max3A_315 : vector<8xf32> to vector<8x1xf32>
    %slice3A_317 = vector.extract_strided_slice %get3A_3 {offsets = [0, 63200], sizes = [8, 800], strides = [1, 1]} : vector<8x100000xf32> to vector<8x800xf32>
    %reduce_max3A_318 = arith.constant dense<0xFF800000> : vector<8xf32>
    %reduce_max3A_319 = vector.multi_reduction <maximumf>, %slice3A_317, %reduce_max3A_318 [1] : vector<8x800xf32> to vector<8xf32>
    %broadcast_in_dim3A_320 = vector.shape_cast %reduce_max3A_319 : vector<8xf32> to vector<8x1xf32>
    %slice3A_321 = vector.extract_strided_slice %get3A_3 {offsets = [0, 64000], sizes = [8, 800], strides = [1, 1]} : vector<8x100000xf32> to vector<8x800xf32>
    %reduce_max3A_322 = arith.constant dense<0xFF800000> : vector<8xf32>
    %reduce_max3A_323 = vector.multi_reduction <maximumf>, %slice3A_321, %reduce_max3A_322 [1] : vector<8x800xf32> to vector<8xf32>
    %broadcast_in_dim3A_324 = vector.shape_cast %reduce_max3A_323 : vector<8xf32> to vector<8x1xf32>
    %slice3A_325 = vector.extract_strided_slice %get3A_3 {offsets = [0, 64800], sizes = [8, 800], strides = [1, 1]} : vector<8x100000xf32> to vector<8x800xf32>
    %reduce_max3A_326 = arith.constant dense<0xFF800000> : vector<8xf32>
    %reduce_max3A_327 = vector.multi_reduction <maximumf>, %slice3A_325, %reduce_max3A_326 [1] : vector<8x800xf32> to vector<8xf32>
    %broadcast_in_dim3A_328 = vector.shape_cast %reduce_max3A_327 : vector<8xf32> to vector<8x1xf32>
    %slice3A_329 = vector.extract_strided_slice %get3A_3 {offsets = [0, 65600], sizes = [8, 800], strides = [1, 1]} : vector<8x100000xf32> to vector<8x800xf32>
    %reduce_max3A_330 = arith.constant dense<0xFF800000> : vector<8xf32>
    %reduce_max3A_331 = vector.multi_reduction <maximumf>, %slice3A_329, %reduce_max3A_330 [1] : vector<8x800xf32> to vector<8xf32>
    %broadcast_in_dim3A_332 = vector.shape_cast %reduce_max3A_331 : vector<8xf32> to vector<8x1xf32>
    %slice3A_333 = vector.extract_strided_slice %get3A_3 {offsets = [0, 66400], sizes = [8, 800], strides = [1, 1]} : vector<8x100000xf32> to vector<8x800xf32>
    %reduce_max3A_334 = arith.constant dense<0xFF800000> : vector<8xf32>
    %reduce_max3A_335 = vector.multi_reduction <maximumf>, %slice3A_333, %reduce_max3A_334 [1] : vector<8x800xf32> to vector<8xf32>
    %broadcast_in_dim3A_336 = vector.shape_cast %reduce_max3A_335 : vector<8xf32> to vector<8x1xf32>
    %slice3A_337 = vector.extract_strided_slice %get3A_3 {offsets = [0, 67200], sizes = [8, 800], strides = [1, 1]} : vector<8x100000xf32> to vector<8x800xf32>
    %reduce_max3A_338 = arith.constant dense<0xFF800000> : vector<8xf32>
    %reduce_max3A_339 = vector.multi_reduction <maximumf>, %slice3A_337, %reduce_max3A_338 [1] : vector<8x800xf32> to vector<8xf32>
    %broadcast_in_dim3A_340 = vector.shape_cast %reduce_max3A_339 : vector<8xf32> to vector<8x1xf32>
    %slice3A_341 = vector.extract_strided_slice %get3A_3 {offsets = [0, 68000], sizes = [8, 800], strides = [1, 1]} : vector<8x100000xf32> to vector<8x800xf32>
    %reduce_max3A_342 = arith.constant dense<0xFF800000> : vector<8xf32>
    %reduce_max3A_343 = vector.multi_reduction <maximumf>, %slice3A_341, %reduce_max3A_342 [1] : vector<8x800xf32> to vector<8xf32>
    %broadcast_in_dim3A_344 = vector.shape_cast %reduce_max3A_343 : vector<8xf32> to vector<8x1xf32>
    %slice3A_345 = vector.extract_strided_slice %get3A_3 {offsets = [0, 68800], sizes = [8, 800], strides = [1, 1]} : vector<8x100000xf32> to vector<8x800xf32>
    %reduce_max3A_346 = arith.constant dense<0xFF800000> : vector<8xf32>
    %reduce_max3A_347 = vector.multi_reduction <maximumf>, %slice3A_345, %reduce_max3A_346 [1] : vector<8x800xf32> to vector<8xf32>
    %broadcast_in_dim3A_348 = vector.shape_cast %reduce_max3A_347 : vector<8xf32> to vector<8x1xf32>
    %slice3A_349 = vector.extract_strided_slice %get3A_3 {offsets = [0, 69600], sizes = [8, 800], strides = [1, 1]} : vector<8x100000xf32> to vector<8x800xf32>
    %reduce_max3A_350 = arith.constant dense<0xFF800000> : vector<8xf32>
    %reduce_max3A_351 = vector.multi_reduction <maximumf>, %slice3A_349, %reduce_max3A_350 [1] : vector<8x800xf32> to vector<8xf32>
    %broadcast_in_dim3A_352 = vector.shape_cast %reduce_max3A_351 : vector<8xf32> to vector<8x1xf32>
    %slice3A_353 = vector.extract_strided_slice %get3A_3 {offsets = [0, 70400], sizes = [8, 800], strides = [1, 1]} : vector<8x100000xf32> to vector<8x800xf32>
    %reduce_max3A_354 = arith.constant dense<0xFF800000> : vector<8xf32>
    %reduce_max3A_355 = vector.multi_reduction <maximumf>, %slice3A_353, %reduce_max3A_354 [1] : vector<8x800xf32> to vector<8xf32>
    %broadcast_in_dim3A_356 = vector.shape_cast %reduce_max3A_355 : vector<8xf32> to vector<8x1xf32>
    %slice3A_357 = vector.extract_strided_slice %get3A_3 {offsets = [0, 71200], sizes = [8, 800], strides = [1, 1]} : vector<8x100000xf32> to vector<8x800xf32>
    %reduce_max3A_358 = arith.constant dense<0xFF800000> : vector<8xf32>
    %reduce_max3A_359 = vector.multi_reduction <maximumf>, %slice3A_357, %reduce_max3A_358 [1] : vector<8x800xf32> to vector<8xf32>
    %broadcast_in_dim3A_360 = vector.shape_cast %reduce_max3A_359 : vector<8xf32> to vector<8x1xf32>
    %slice3A_361 = vector.extract_strided_slice %get3A_3 {offsets = [0, 72000], sizes = [8, 800], strides = [1, 1]} : vector<8x100000xf32> to vector<8x800xf32>
    %reduce_max3A_362 = arith.constant dense<0xFF800000> : vector<8xf32>
    %reduce_max3A_363 = vector.multi_reduction <maximumf>, %slice3A_361, %reduce_max3A_362 [1] : vector<8x800xf32> to vector<8xf32>
    %broadcast_in_dim3A_364 = vector.shape_cast %reduce_max3A_363 : vector<8xf32> to vector<8x1xf32>
    %slice3A_365 = vector.extract_strided_slice %get3A_3 {offsets = [0, 72800], sizes = [8, 800], strides = [1, 1]} : vector<8x100000xf32> to vector<8x800xf32>
    %reduce_max3A_366 = arith.constant dense<0xFF800000> : vector<8xf32>
    %reduce_max3A_367 = vector.multi_reduction <maximumf>, %slice3A_365, %reduce_max3A_366 [1] : vector<8x800xf32> to vector<8xf32>
    %broadcast_in_dim3A_368 = vector.shape_cast %reduce_max3A_367 : vector<8xf32> to vector<8x1xf32>
    %slice3A_369 = vector.extract_strided_slice %get3A_3 {offsets = [0, 73600], sizes = [8, 800], strides = [1, 1]} : vector<8x100000xf32> to vector<8x800xf32>
    %reduce_max3A_370 = arith.constant dense<0xFF800000> : vector<8xf32>
    %reduce_max3A_371 = vector.multi_reduction <maximumf>, %slice3A_369, %reduce_max3A_370 [1] : vector<8x800xf32> to vector<8xf32>
    %broadcast_in_dim3A_372 = vector.shape_cast %reduce_max3A_371 : vector<8xf32> to vector<8x1xf32>
    %slice3A_373 = vector.extract_strided_slice %get3A_3 {offsets = [0, 74400], sizes = [8, 800], strides = [1, 1]} : vector<8x100000xf32> to vector<8x800xf32>
    %reduce_max3A_374 = arith.constant dense<0xFF800000> : vector<8xf32>
    %reduce_max3A_375 = vector.multi_reduction <maximumf>, %slice3A_373, %reduce_max3A_374 [1] : vector<8x800xf32> to vector<8xf32>
    %broadcast_in_dim3A_376 = vector.shape_cast %reduce_max3A_375 : vector<8xf32> to vector<8x1xf32>
    %slice3A_377 = vector.extract_strided_slice %get3A_3 {offsets = [0, 75200], sizes = [8, 800], strides = [1, 1]} : vector<8x100000xf32> to vector<8x800xf32>
    %reduce_max3A_378 = arith.constant dense<0xFF800000> : vector<8xf32>
    %reduce_max3A_379 = vector.multi_reduction <maximumf>, %slice3A_377, %reduce_max3A_378 [1] : vector<8x800xf32> to vector<8xf32>
    %broadcast_in_dim3A_380 = vector.shape_cast %reduce_max3A_379 : vector<8xf32> to vector<8x1xf32>
    %slice3A_381 = vector.extract_strided_slice %get3A_3 {offsets = [0, 76000], sizes = [8, 800], strides = [1, 1]} : vector<8x100000xf32> to vector<8x800xf32>
    %reduce_max3A_382 = arith.constant dense<0xFF800000> : vector<8xf32>
    %reduce_max3A_383 = vector.multi_reduction <maximumf>, %slice3A_381, %reduce_max3A_382 [1] : vector<8x800xf32> to vector<8xf32>
    %broadcast_in_dim3A_384 = vector.shape_cast %reduce_max3A_383 : vector<8xf32> to vector<8x1xf32>
    %slice3A_385 = vector.extract_strided_slice %get3A_3 {offsets = [0, 76800], sizes = [8, 800], strides = [1, 1]} : vector<8x100000xf32> to vector<8x800xf32>
    %reduce_max3A_386 = arith.constant dense<0xFF800000> : vector<8xf32>
    %reduce_max3A_387 = vector.multi_reduction <maximumf>, %slice3A_385, %reduce_max3A_386 [1] : vector<8x800xf32> to vector<8xf32>
    %broadcast_in_dim3A_388 = vector.shape_cast %reduce_max3A_387 : vector<8xf32> to vector<8x1xf32>
    %slice3A_389 = vector.extract_strided_slice %get3A_3 {offsets = [0, 77600], sizes = [8, 800], strides = [1, 1]} : vector<8x100000xf32> to vector<8x800xf32>
    %reduce_max3A_390 = arith.constant dense<0xFF800000> : vector<8xf32>
    %reduce_max3A_391 = vector.multi_reduction <maximumf>, %slice3A_389, %reduce_max3A_390 [1] : vector<8x800xf32> to vector<8xf32>
    %broadcast_in_dim3A_392 = vector.shape_cast %reduce_max3A_391 : vector<8xf32> to vector<8x1xf32>
    %slice3A_393 = vector.extract_strided_slice %get3A_3 {offsets = [0, 78400], sizes = [8, 800], strides = [1, 1]} : vector<8x100000xf32> to vector<8x800xf32>
    %reduce_max3A_394 = arith.constant dense<0xFF800000> : vector<8xf32>
    %reduce_max3A_395 = vector.multi_reduction <maximumf>, %slice3A_393, %reduce_max3A_394 [1] : vector<8x800xf32> to vector<8xf32>
    %broadcast_in_dim3A_396 = vector.shape_cast %reduce_max3A_395 : vector<8xf32> to vector<8x1xf32>
    %slice3A_397 = vector.extract_strided_slice %get3A_3 {offsets = [0, 79200], sizes = [8, 800], strides = [1, 1]} : vector<8x100000xf32> to vector<8x800xf32>
    %reduce_max3A_398 = arith.constant dense<0xFF800000> : vector<8xf32>
    %reduce_max3A_399 = vector.multi_reduction <maximumf>, %slice3A_397, %reduce_max3A_398 [1] : vector<8x800xf32> to vector<8xf32>
    %broadcast_in_dim3A_400 = vector.shape_cast %reduce_max3A_399 : vector<8xf32> to vector<8x1xf32>
    %slice3A_401 = vector.extract_strided_slice %get3A_3 {offsets = [0, 80000], sizes = [8, 800], strides = [1, 1]} : vector<8x100000xf32> to vector<8x800xf32>
    %reduce_max3A_402 = arith.constant dense<0xFF800000> : vector<8xf32>
    %reduce_max3A_403 = vector.multi_reduction <maximumf>, %slice3A_401, %reduce_max3A_402 [1] : vector<8x800xf32> to vector<8xf32>
    %broadcast_in_dim3A_404 = vector.shape_cast %reduce_max3A_403 : vector<8xf32> to vector<8x1xf32>
    %slice3A_405 = vector.extract_strided_slice %get3A_3 {offsets = [0, 80800], sizes = [8, 800], strides = [1, 1]} : vector<8x100000xf32> to vector<8x800xf32>
    %reduce_max3A_406 = arith.constant dense<0xFF800000> : vector<8xf32>
    %reduce_max3A_407 = vector.multi_reduction <maximumf>, %slice3A_405, %reduce_max3A_406 [1] : vector<8x800xf32> to vector<8xf32>
    %broadcast_in_dim3A_408 = vector.shape_cast %reduce_max3A_407 : vector<8xf32> to vector<8x1xf32>
    %slice3A_409 = vector.extract_strided_slice %get3A_3 {offsets = [0, 81600], sizes = [8, 800], strides = [1, 1]} : vector<8x100000xf32> to vector<8x800xf32>
    %reduce_max3A_410 = arith.constant dense<0xFF800000> : vector<8xf32>
    %reduce_max3A_411 = vector.multi_reduction <maximumf>, %slice3A_409, %reduce_max3A_410 [1] : vector<8x800xf32> to vector<8xf32>
    %broadcast_in_dim3A_412 = vector.shape_cast %reduce_max3A_411 : vector<8xf32> to vector<8x1xf32>
    %slice3A_413 = vector.extract_strided_slice %get3A_3 {offsets = [0, 82400], sizes = [8, 800], strides = [1, 1]} : vector<8x100000xf32> to vector<8x800xf32>
    %reduce_max3A_414 = arith.constant dense<0xFF800000> : vector<8xf32>
    %reduce_max3A_415 = vector.multi_reduction <maximumf>, %slice3A_413, %reduce_max3A_414 [1] : vector<8x800xf32> to vector<8xf32>
    %broadcast_in_dim3A_416 = vector.shape_cast %reduce_max3A_415 : vector<8xf32> to vector<8x1xf32>
    %slice3A_417 = vector.extract_strided_slice %get3A_3 {offsets = [0, 83200], sizes = [8, 800], strides = [1, 1]} : vector<8x100000xf32> to vector<8x800xf32>
    %reduce_max3A_418 = arith.constant dense<0xFF800000> : vector<8xf32>
    %reduce_max3A_419 = vector.multi_reduction <maximumf>, %slice3A_417, %reduce_max3A_418 [1] : vector<8x800xf32> to vector<8xf32>
    %broadcast_in_dim3A_420 = vector.shape_cast %reduce_max3A_419 : vector<8xf32> to vector<8x1xf32>
    %slice3A_421 = vector.extract_strided_slice %get3A_3 {offsets = [0, 84000], sizes = [8, 800], strides = [1, 1]} : vector<8x100000xf32> to vector<8x800xf32>
    %reduce_max3A_422 = arith.constant dense<0xFF800000> : vector<8xf32>
    %reduce_max3A_423 = vector.multi_reduction <maximumf>, %slice3A_421, %reduce_max3A_422 [1] : vector<8x800xf32> to vector<8xf32>
    %broadcast_in_dim3A_424 = vector.shape_cast %reduce_max3A_423 : vector<8xf32> to vector<8x1xf32>
    %slice3A_425 = vector.extract_strided_slice %get3A_3 {offsets = [0, 84800], sizes = [8, 800], strides = [1, 1]} : vector<8x100000xf32> to vector<8x800xf32>
    %reduce_max3A_426 = arith.constant dense<0xFF800000> : vector<8xf32>
    %reduce_max3A_427 = vector.multi_reduction <maximumf>, %slice3A_425, %reduce_max3A_426 [1] : vector<8x800xf32> to vector<8xf32>
    %broadcast_in_dim3A_428 = vector.shape_cast %reduce_max3A_427 : vector<8xf32> to vector<8x1xf32>
    %slice3A_429 = vector.extract_strided_slice %get3A_3 {offsets = [0, 85600], sizes = [8, 800], strides = [1, 1]} : vector<8x100000xf32> to vector<8x800xf32>
    %reduce_max3A_430 = arith.constant dense<0xFF800000> : vector<8xf32>
    %reduce_max3A_431 = vector.multi_reduction <maximumf>, %slice3A_429, %reduce_max3A_430 [1] : vector<8x800xf32> to vector<8xf32>
    %broadcast_in_dim3A_432 = vector.shape_cast %reduce_max3A_431 : vector<8xf32> to vector<8x1xf32>
    %slice3A_433 = vector.extract_strided_slice %get3A_3 {offsets = [0, 86400], sizes = [8, 800], strides = [1, 1]} : vector<8x100000xf32> to vector<8x800xf32>
    %reduce_max3A_434 = arith.constant dense<0xFF800000> : vector<8xf32>
    %reduce_max3A_435 = vector.multi_reduction <maximumf>, %slice3A_433, %reduce_max3A_434 [1] : vector<8x800xf32> to vector<8xf32>
    %broadcast_in_dim3A_436 = vector.shape_cast %reduce_max3A_435 : vector<8xf32> to vector<8x1xf32>
    %slice3A_437 = vector.extract_strided_slice %get3A_3 {offsets = [0, 87200], sizes = [8, 800], strides = [1, 1]} : vector<8x100000xf32> to vector<8x800xf32>
    %reduce_max3A_438 = arith.constant dense<0xFF800000> : vector<8xf32>
    %reduce_max3A_439 = vector.multi_reduction <maximumf>, %slice3A_437, %reduce_max3A_438 [1] : vector<8x800xf32> to vector<8xf32>
    %broadcast_in_dim3A_440 = vector.shape_cast %reduce_max3A_439 : vector<8xf32> to vector<8x1xf32>
    %slice3A_441 = vector.extract_strided_slice %get3A_3 {offsets = [0, 88000], sizes = [8, 800], strides = [1, 1]} : vector<8x100000xf32> to vector<8x800xf32>
    %reduce_max3A_442 = arith.constant dense<0xFF800000> : vector<8xf32>
    %reduce_max3A_443 = vector.multi_reduction <maximumf>, %slice3A_441, %reduce_max3A_442 [1] : vector<8x800xf32> to vector<8xf32>
    %broadcast_in_dim3A_444 = vector.shape_cast %reduce_max3A_443 : vector<8xf32> to vector<8x1xf32>
    %slice3A_445 = vector.extract_strided_slice %get3A_3 {offsets = [0, 88800], sizes = [8, 800], strides = [1, 1]} : vector<8x100000xf32> to vector<8x800xf32>
    %reduce_max3A_446 = arith.constant dense<0xFF800000> : vector<8xf32>
    %reduce_max3A_447 = vector.multi_reduction <maximumf>, %slice3A_445, %reduce_max3A_446 [1] : vector<8x800xf32> to vector<8xf32>
    %broadcast_in_dim3A_448 = vector.shape_cast %reduce_max3A_447 : vector<8xf32> to vector<8x1xf32>
    %slice3A_449 = vector.extract_strided_slice %get3A_3 {offsets = [0, 89600], sizes = [8, 800], strides = [1, 1]} : vector<8x100000xf32> to vector<8x800xf32>
    %reduce_max3A_450 = arith.constant dense<0xFF800000> : vector<8xf32>
    %reduce_max3A_451 = vector.multi_reduction <maximumf>, %slice3A_449, %reduce_max3A_450 [1] : vector<8x800xf32> to vector<8xf32>
    %broadcast_in_dim3A_452 = vector.shape_cast %reduce_max3A_451 : vector<8xf32> to vector<8x1xf32>
    %slice3A_453 = vector.extract_strided_slice %get3A_3 {offsets = [0, 90400], sizes = [8, 800], strides = [1, 1]} : vector<8x100000xf32> to vector<8x800xf32>
    %reduce_max3A_454 = arith.constant dense<0xFF800000> : vector<8xf32>
    %reduce_max3A_455 = vector.multi_reduction <maximumf>, %slice3A_453, %reduce_max3A_454 [1] : vector<8x800xf32> to vector<8xf32>
    %broadcast_in_dim3A_456 = vector.shape_cast %reduce_max3A_455 : vector<8xf32> to vector<8x1xf32>
    %slice3A_457 = vector.extract_strided_slice %get3A_3 {offsets = [0, 91200], sizes = [8, 800], strides = [1, 1]} : vector<8x100000xf32> to vector<8x800xf32>
    %reduce_max3A_458 = arith.constant dense<0xFF800000> : vector<8xf32>
    %reduce_max3A_459 = vector.multi_reduction <maximumf>, %slice3A_457, %reduce_max3A_458 [1] : vector<8x800xf32> to vector<8xf32>
    %broadcast_in_dim3A_460 = vector.shape_cast %reduce_max3A_459 : vector<8xf32> to vector<8x1xf32>
    %slice3A_461 = vector.extract_strided_slice %get3A_3 {offsets = [0, 92000], sizes = [8, 800], strides = [1, 1]} : vector<8x100000xf32> to vector<8x800xf32>
    %reduce_max3A_462 = arith.constant dense<0xFF800000> : vector<8xf32>
    %reduce_max3A_463 = vector.multi_reduction <maximumf>, %slice3A_461, %reduce_max3A_462 [1] : vector<8x800xf32> to vector<8xf32>
    %broadcast_in_dim3A_464 = vector.shape_cast %reduce_max3A_463 : vector<8xf32> to vector<8x1xf32>
    %slice3A_465 = vector.extract_strided_slice %get3A_3 {offsets = [0, 92800], sizes = [8, 800], strides = [1, 1]} : vector<8x100000xf32> to vector<8x800xf32>
    %reduce_max3A_466 = arith.constant dense<0xFF800000> : vector<8xf32>
    %reduce_max3A_467 = vector.multi_reduction <maximumf>, %slice3A_465, %reduce_max3A_466 [1] : vector<8x800xf32> to vector<8xf32>
    %broadcast_in_dim3A_468 = vector.shape_cast %reduce_max3A_467 : vector<8xf32> to vector<8x1xf32>
    %slice3A_469 = vector.extract_strided_slice %get3A_3 {offsets = [0, 93600], sizes = [8, 800], strides = [1, 1]} : vector<8x100000xf32> to vector<8x800xf32>
    %reduce_max3A_470 = arith.constant dense<0xFF800000> : vector<8xf32>
    %reduce_max3A_471 = vector.multi_reduction <maximumf>, %slice3A_469, %reduce_max3A_470 [1] : vector<8x800xf32> to vector<8xf32>
    %broadcast_in_dim3A_472 = vector.shape_cast %reduce_max3A_471 : vector<8xf32> to vector<8x1xf32>
    %slice3A_473 = vector.extract_strided_slice %get3A_3 {offsets = [0, 94400], sizes = [8, 800], strides = [1, 1]} : vector<8x100000xf32> to vector<8x800xf32>
    %reduce_max3A_474 = arith.constant dense<0xFF800000> : vector<8xf32>
    %reduce_max3A_475 = vector.multi_reduction <maximumf>, %slice3A_473, %reduce_max3A_474 [1] : vector<8x800xf32> to vector<8xf32>
    %broadcast_in_dim3A_476 = vector.shape_cast %reduce_max3A_475 : vector<8xf32> to vector<8x1xf32>
    %slice3A_477 = vector.extract_strided_slice %get3A_3 {offsets = [0, 95200], sizes = [8, 800], strides = [1, 1]} : vector<8x100000xf32> to vector<8x800xf32>
    %reduce_max3A_478 = arith.constant dense<0xFF800000> : vector<8xf32>
    %reduce_max3A_479 = vector.multi_reduction <maximumf>, %slice3A_477, %reduce_max3A_478 [1] : vector<8x800xf32> to vector<8xf32>
    %broadcast_in_dim3A_480 = vector.shape_cast %reduce_max3A_479 : vector<8xf32> to vector<8x1xf32>
    %slice3A_481 = vector.extract_strided_slice %get3A_3 {offsets = [0, 96000], sizes = [8, 800], strides = [1, 1]} : vector<8x100000xf32> to vector<8x800xf32>
    %reduce_max3A_482 = arith.constant dense<0xFF800000> : vector<8xf32>
    %reduce_max3A_483 = vector.multi_reduction <maximumf>, %slice3A_481, %reduce_max3A_482 [1] : vector<8x800xf32> to vector<8xf32>
    %broadcast_in_dim3A_484 = vector.shape_cast %reduce_max3A_483 : vector<8xf32> to vector<8x1xf32>
    %slice3A_485 = vector.extract_strided_slice %get3A_3 {offsets = [0, 96800], sizes = [8, 800], strides = [1, 1]} : vector<8x100000xf32> to vector<8x800xf32>
    %reduce_max3A_486 = arith.constant dense<0xFF800000> : vector<8xf32>
    %reduce_max3A_487 = vector.multi_reduction <maximumf>, %slice3A_485, %reduce_max3A_486 [1] : vector<8x800xf32> to vector<8xf32>
    %broadcast_in_dim3A_488 = vector.shape_cast %reduce_max3A_487 : vector<8xf32> to vector<8x1xf32>
    %slice3A_489 = vector.extract_strided_slice %get3A_3 {offsets = [0, 97600], sizes = [8, 800], strides = [1, 1]} : vector<8x100000xf32> to vector<8x800xf32>
    %reduce_max3A_490 = arith.constant dense<0xFF800000> : vector<8xf32>
    %reduce_max3A_491 = vector.multi_reduction <maximumf>, %slice3A_489, %reduce_max3A_490 [1] : vector<8x800xf32> to vector<8xf32>
    %broadcast_in_dim3A_492 = vector.shape_cast %reduce_max3A_491 : vector<8xf32> to vector<8x1xf32>
    %slice3A_493 = vector.extract_strided_slice %get3A_3 {offsets = [0, 98400], sizes = [8, 800], strides = [1, 1]} : vector<8x100000xf32> to vector<8x800xf32>
    %reduce_max3A_494 = arith.constant dense<0xFF800000> : vector<8xf32>
    %reduce_max3A_495 = vector.multi_reduction <maximumf>, %slice3A_493, %reduce_max3A_494 [1] : vector<8x800xf32> to vector<8xf32>
    %broadcast_in_dim3A_496 = vector.shape_cast %reduce_max3A_495 : vector<8xf32> to vector<8x1xf32>
    %slice3A_497 = vector.extract_strided_slice %get3A_3 {offsets = [0, 99200], sizes = [8, 800], strides = [1, 1]} : vector<8x100000xf32> to vector<8x800xf32>
    %reduce_max3A_498 = arith.constant dense<0xFF800000> : vector<8xf32>
    %reduce_max3A_499 = vector.multi_reduction <maximumf>, %slice3A_497, %reduce_max3A_498 [1] : vector<8x800xf32> to vector<8xf32>
    %broadcast_in_dim3A_500 = vector.shape_cast %reduce_max3A_499 : vector<8xf32> to vector<8x1xf32>
    %concatenate3A = tpu.concatenate %broadcast_in_dim3A, %broadcast_in_dim3A_8, %broadcast_in_dim3A_12, %broadcast_in_dim3A_16, %broadcast_in_dim3A_20, %broadcast_in_dim3A_24, %broadcast_in_dim3A_28, %broadcast_in_dim3A_32, %broadcast_in_dim3A_36, %broadcast_in_dim3A_40, %broadcast_in_dim3A_44, %broadcast_in_dim3A_48, %broadcast_in_dim3A_52, %broadcast_in_dim3A_56, %broadcast_in_dim3A_60, %broadcast_in_dim3A_64, %broadcast_in_dim3A_68, %broadcast_in_dim3A_72, %broadcast_in_dim3A_76, %broadcast_in_dim3A_80, %broadcast_in_dim3A_84, %broadcast_in_dim3A_88, %broadcast_in_dim3A_92, %broadcast_in_dim3A_96, %broadcast_in_dim3A_100, %broadcast_in_dim3A_104, %broadcast_in_dim3A_108, %broadcast_in_dim3A_112, %broadcast_in_dim3A_116, %broadcast_in_dim3A_120, %broadcast_in_dim3A_124, %broadcast_in_dim3A_128, %broadcast_in_dim3A_132, %broadcast_in_dim3A_136, %broadcast_in_dim3A_140, %broadcast_in_dim3A_144, %broadcast_in_dim3A_148, %broadcast_in_dim3A_152, %broadcast_in_dim3A_156, %broadcast_in_dim3A_160, %broadcast_in_dim3A_164, %broadcast_in_dim3A_168, %broadcast_in_dim3A_172, %broadcast_in_dim3A_176, %broadcast_in_dim3A_180, %broadcast_in_dim3A_184, %broadcast_in_dim3A_188, %broadcast_in_dim3A_192, %broadcast_in_dim3A_196, %broadcast_in_dim3A_200, %broadcast_in_dim3A_204, %broadcast_in_dim3A_208, %broadcast_in_dim3A_212, %broadcast_in_dim3A_216, %broadcast_in_dim3A_220, %broadcast_in_dim3A_224, %broadcast_in_dim3A_228, %broadcast_in_dim3A_232, %broadcast_in_dim3A_236, %broadcast_in_dim3A_240, %broadcast_in_dim3A_244, %broadcast_in_dim3A_248, %broadcast_in_dim3A_252, %broadcast_in_dim3A_256, %broadcast_in_dim3A_260, %broadcast_in_dim3A_264, %broadcast_in_dim3A_268, %broadcast_in_dim3A_272, %broadcast_in_dim3A_276, %broadcast_in_dim3A_280, %broadcast_in_dim3A_284, %broadcast_in_dim3A_288, %broadcast_in_dim3A_292, %broadcast_in_dim3A_296, %broadcast_in_dim3A_300, %broadcast_in_dim3A_304, %broadcast_in_dim3A_308, %broadcast_in_dim3A_312, %broadcast_in_dim3A_316, %broadcast_in_dim3A_320, %broadcast_in_dim3A_324, %broadcast_in_dim3A_328, %broadcast_in_dim3A_332, %broadcast_in_dim3A_336, %broadcast_in_dim3A_340, %broadcast_in_dim3A_344, %broadcast_in_dim3A_348, %broadcast_in_dim3A_352, %broadcast_in_dim3A_356, %broadcast_in_dim3A_360, %broadcast_in_dim3A_364, %broadcast_in_dim3A_368, %broadcast_in_dim3A_372, %broadcast_in_dim3A_376, %broadcast_in_dim3A_380, %broadcast_in_dim3A_384, %broadcast_in_dim3A_388, %broadcast_in_dim3A_392, %broadcast_in_dim3A_396, %broadcast_in_dim3A_400, %broadcast_in_dim3A_404, %broadcast_in_dim3A_408, %broadcast_in_dim3A_412, %broadcast_in_dim3A_416, %broadcast_in_dim3A_420, %broadcast_in_dim3A_424, %broadcast_in_dim3A_428, %broadcast_in_dim3A_432, %broadcast_in_dim3A_436, %broadcast_in_dim3A_440, %broadcast_in_dim3A_444, %broadcast_in_dim3A_448, %broadcast_in_dim3A_452, %broadcast_in_dim3A_456, %broadcast_in_dim3A_460, %broadcast_in_dim3A_464, %broadcast_in_dim3A_468, %broadcast_in_dim3A_472, %broadcast_in_dim3A_476, %broadcast_in_dim3A_480, %broadcast_in_dim3A_484, %broadcast_in_dim3A_488, %broadcast_in_dim3A_492, %broadcast_in_dim3A_496, %broadcast_in_dim3A_500 in 1 : vector<8x1xf32>, vector<8x1xf32>, vector<8x1xf32>, vector<8x1xf32>, vector<8x1xf32>, vector<8x1xf32>, vector<8x1xf32>, vector<8x1xf32>, vector<8x1xf32>, vector<8x1xf32>, vector<8x1xf32>, vector<8x1xf32>, vector<8x1xf32>, vector<8x1xf32>, vector<8x1xf32>, vector<8x1xf32>, vector<8x1xf32>, vector<8x1xf32>, vector<8x1xf32>, vector<8x1xf32>, vector<8x1xf32>, vector<8x1xf32>, vector<8x1xf32>, vector<8x1xf32>, vector<8x1xf32>, vector<8x1xf32>, vector<8x1xf32>, vector<8x1xf32>, vector<8x1xf32>, vector<8x1xf32>, vector<8x1xf32>, vector<8x1xf32>, vector<8x1xf32>, vector<8x1xf32>, vector<8x1xf32>, vector<8x1xf32>, vector<8x1xf32>, vector<8x1xf32>, vector<8x1xf32>, vector<8x1xf32>, vector<8x1xf32>, vector<8x1xf32>, vector<8x1xf32>, vector<8x1xf32>, vector<8x1xf32>, vector<8x1xf32>, vector<8x1xf32>, vector<8x1xf32>, vector<8x1xf32>, vector<8x1xf32>, vector<8x1xf32>, vector<8x1xf32>, vector<8x1xf32>, vector<8x1xf32>, vector<8x1xf32>, vector<8x1xf32>, vector<8x1xf32>, vector<8x1xf32>, vector<8x1xf32>, vector<8x1xf32>, vector<8x1xf32>, vector<8x1xf32>, vector<8x1xf32>, vector<8x1xf32>, vector<8x1xf32>, vector<8x1xf32>, vector<8x1xf32>, vector<8x1xf32>, vector<8x1xf32>, vector<8x1xf32>, vector<8x1xf32>, vector<8x1xf32>, vector<8x1xf32>, vector<8x1xf32>, vector<8x1xf32>, vector<8x1xf32>, vector<8x1xf32>, vector<8x1xf32>, vector<8x1xf32>, vector<8x1xf32>, vector<8x1xf32>, vector<8x1xf32>, vector<8x1xf32>, vector<8x1xf32>, vector<8x1xf32>, vector<8x1xf32>, vector<8x1xf32>, vector<8x1xf32>, vector<8x1xf32>, vector<8x1xf32>, vector<8x1xf32>, vector<8x1xf32>, vector<8x1xf32>, vector<8x1xf32>, vector<8x1xf32>, vector<8x1xf32>, vector<8x1xf32>, vector<8x1xf32>, vector<8x1xf32>, vector<8x1xf32>, vector<8x1xf32>, vector<8x1xf32>, vector<8x1xf32>, vector<8x1xf32>, vector<8x1xf32>, vector<8x1xf32>, vector<8x1xf32>, vector<8x1xf32>, vector<8x1xf32>, vector<8x1xf32>, vector<8x1xf32>, vector<8x1xf32>, vector<8x1xf32>, vector<8x1xf32>, vector<8x1xf32>, vector<8x1xf32>, vector<8x1xf32>, vector<8x1xf32>, vector<8x1xf32>, vector<8x1xf32>, vector<8x1xf32>, vector<8x1xf32>, vector<8x1xf32>, vector<8x1xf32>, vector<8x1xf32> -> vector<8x125xf32>
    %reduce_max3A_501 = arith.constant dense<0xFF800000> : vector<8xf32>
    %reduce_max3A_502 = vector.multi_reduction <maximumf>, %concatenate3A, %reduce_max3A_501 [1] : vector<8x125xf32> to vector<8xf32>
    %broadcast_in_dim3A_503 = vector.shape_cast %reduce_max3A_502 : vector<8xf32> to vector<8x1xf32>
    %sub3A = vector.broadcast %broadcast_in_dim3A_503 : vector<8x1xf32> to vector<8x100000xf32>
    %sub3A_504 = arith.subf %get3A_3, %sub3A : vector<8x100000xf32>
    %exp3A = math.exp %sub3A_504 : vector<8x100000xf32>
    %reduce_sum3A = arith.constant dense<0.000000e+00> : vector<8xf32>
    %reduce_sum3A_505 = vector.multi_reduction <add>, %exp3A, %reduce_sum3A [1] : vector<8x100000xf32> to vector<8xf32>
    %broadcast_in_dim3A_506 = vector.shape_cast %reduce_sum3A_505 : vector<8xf32> to vector<8x1xf32>
    %log3A = math.log %broadcast_in_dim3A_506 : vector<8x1xf32>
    %swap3A = arith.constant 0 : index
    %swap3A_507 = arith.constant 0 : index
    %swap3A_508 = arith.constant 0 : index
    %swap3A_509 = vector.load %arg2[%swap3A, %swap3A_507, %swap3A_508] : memref<1x8x125xf32, #tpu.memory_space<vmem>>, vector<1x8x125xf32>
    %swap3A_510 = vector.shape_cast %swap3A_509 : vector<1x8x125xf32> to vector<8x125xf32>
    %swap3A_511 = vector.shape_cast %concatenate3A : vector<8x125xf32> to vector<1x8x125xf32>
    tpu.vector_store %arg2[%swap3A, %swap3A_507, %swap3A_508], %swap3A_511 {strides = array<i32>} : memref<1x8x125xf32, #tpu.memory_space<vmem>>, vector<1x8x125xf32>,
    %swap3A_512 = arith.constant 0 : index
    %swap3A_513 = arith.constant 0 : index
    %swap3A_514 = arith.constant 0 : index
    %swap3A_515 = vector.load %arg3[%swap3A_512, %swap3A_513, %swap3A_514] : memref<1x8x1xf32, #tpu.memory_space<vmem>>, vector<1x8x1xf32>
    %swap3A_516 = vector.shape_cast %swap3A_515 : vector<1x8x1xf32> to vector<8x1xf32>
    %swap3A_517 = vector.shape_cast %broadcast_in_dim3A_503 : vector<8x1xf32> to vector<1x8x1xf32>
    tpu.vector_store %arg3[%swap3A_512, %swap3A_513, %swap3A_514], %swap3A_517 {strides = array<i32>} : memref<1x8x1xf32, #tpu.memory_space<vmem>>, vector<1x8x1xf32>,
    %swap3A_518 = arith.constant 0 : index
    %swap3A_519 = arith.constant 0 : index
    %swap3A_520 = arith.constant 0 : index
    %swap3A_521 = vector.load %arg4[%swap3A_518, %swap3A_519, %swap3A_520] : memref<1x8x1xf32, #tpu.memory_space<vmem>>, vector<1x8x1xf32>
    %swap3A_522 = vector.shape_cast %swap3A_521 : vector<1x8x1xf32> to vector<8x1xf32>
    %swap3A_523 = vector.shape_cast %log3A : vector<8x1xf32> to vector<1x8x1xf32>
    tpu.vector_store %arg4[%swap3A_518, %swap3A_519, %swap3A_520], %swap3A_523 {strides = array<i32>} : memref<1x8x1xf32, #tpu.memory_space<vmem>>, vector<1x8x1xf32>,
    return
  }
  func.func @transform_0(%arg0: i32) -> (i32, i32, i32) {
    %c0_i32 = arith.constant 0 : i32
    %c0_i32_0 = arith.constant 0 : i32
    %c0_i32_1 = arith.constant 0 : i32
    return %arg0, %c0_i32, %c0_i32_0 : i32, i32, i32
  }
  func.func @transform_1(%arg0: i32) -> (i32, i32, i32) {
    %c0_i32 = arith.constant 0 : i32
    %c0_i32_0 = arith.constant 0 : i32
    %c0_i32_1 = arith.constant 0 : i32
    return %arg0, %c0_i32, %c0_i32_0 : i32, i32, i32
  }
  func.func @transform_2(%arg0: i32) -> (i32, i32, i32) {
    %c0_i32 = arith.constant 0 : i32
    %c0_i32_0 = arith.constant 0 : i32
    %c0_i32_1 = arith.constant 0 : i32
    return %arg0, %c0_i32, %c0_i32_0 : i32, i32, i32
  }
  func.func @transform_3(%arg0: i32) -> (i32, i32, i32) {
    %c0_i32 = arith.constant 0 : i32
    %c0_i32_0 = arith.constant 0 : i32
    %c0_i32_1 = arith.constant 0 : i32
    return %arg0, %c0_i32, %c0_i32_0 : i32, i32, i32
  }
}

module attributes {stable_mosaic.version = 14 : i64} {
  func.func @_row_topk_body(%arg0: i32, %arg1: memref<64x8x800xf32, #tpu.memory_space<vmem>>, %arg2: memref<64x8xi32, #tpu.memory_space<vmem>>, %arg3: memref<64x1xf32, #tpu.memory_space<vmem>>, %arg4: memref<64x1xf32, #tpu.memory_space<vmem>>, %arg5: memref<64x8xf32, #tpu.memory_space<vmem>>, %arg6: memref<64x8xi32, #tpu.memory_space<vmem>>) attributes {dimension_semantics = [#tpu.dimension_semantics<arbitrary>], iteration_bounds = array<i64: 8>, scalar_prefetch = 0 : i64, scratch_operands = 0 : i64, tpu.core_type = #tpu.core_type<tc>, window_params = [{transform_indices = @transform_0, window_bounds = array<i64: 64, 8, 800>}, {transform_indices = @transform_1, window_bounds = array<i64: 64, 8>}, {transform_indices = @transform_2, window_bounds = array<i64: 64, 1>}, {transform_indices = @transform_3, window_bounds = array<i64: 64, 1>}, {transform_indices = @transform_4, window_bounds = array<i64: 64, 8>}, {transform_indices = @transform_5, window_bounds = array<i64: 64, 8>}]} {
    %get3A = arith.constant 0 : index
    %get3A_0 = arith.constant 0 : index
    %get3A_1 = arith.constant 0 : index
    %get3A_2 = vector.load %arg1[%get3A, %get3A_0, %get3A_1] : memref<64x8x800xf32, #tpu.memory_space<vmem>>, vector<64x8x800xf32>
    %get3A_3 = arith.constant 0 : index
    %get3A_4 = arith.constant 0 : index
    %get3A_5 = vector.load %arg2[%get3A_3, %get3A_4] : memref<64x8xi32, #tpu.memory_space<vmem>>, vector<64x8xi32>
    %iota3A = tpu.iota {dimensions = array<i32: 2>} : vector<1x1x800xi32>
    %broadcast_in_dim3A = vector.shape_cast %get3A_5 : vector<64x8xi32> to vector<64x8x1xi32>
    %add3A = vector.broadcast %broadcast_in_dim3A : vector<64x8x1xi32> to vector<64x8x800xi32>
    %add3A_6 = vector.broadcast %iota3A : vector<1x1x800xi32> to vector<64x8x800xi32>
    %add3A_7 = arith.addi %add3A, %add3A_6 : vector<64x8x800xi32>
    %iota3A_8 = tpu.iota {dimensions = array<i32: 1>} : vector<64x8xi32>
    %broadcast_in_dim3A_9 = arith.constant 0.000000e+00 : f32
    %broadcast_in_dim3A_10 = vector.broadcast %broadcast_in_dim3A_9 : f32 to vector<64x8xf32>
    %broadcast_in_dim3A_11 = arith.constant 0 : i32
    %broadcast_in_dim3A_12 = vector.broadcast %broadcast_in_dim3A_11 : i32 to vector<64x8xi32>
    %reduce_max3A = arith.constant dense<0xFF800000> : vector<64xf32>
    %reduce_max3A_13 = vector.multi_reduction <maximumf>, %get3A_2, %reduce_max3A [1, 2] : vector<64x8x800xf32> to vector<64xf32>
    %broadcast_in_dim3A_14 = vector.shape_cast %reduce_max3A_13 : vector<64xf32> to vector<64x1x1xf32>
    %eq3A = vector.broadcast %broadcast_in_dim3A_14 : vector<64x1x1xf32> to vector<64x8x800xf32>
    %eq3A_15 = arith.cmpf oeq, %get3A_2, %eq3A : vector<64x8x800xf32>
    %jit3A = arith.constant 1073741824 : i32
    %broadcast_in_dim3A_16 = vector.broadcast %jit3A : i32 to vector<64x8x800xi32>
    %select_n3A = arith.select %eq3A_15, %add3A_7, %broadcast_in_dim3A_16 : vector<64x8x800xi1>, vector<64x8x800xi32>
    %reduce_min3A = arith.constant dense<2147483647> : vector<64xi32>
    %reduce_min3A_17 = vector.multi_reduction <minsi>, %select_n3A, %reduce_min3A [1, 2] : vector<64x8x800xi32> to vector<64xi32>
    %broadcast_in_dim3A_18 = vector.shape_cast %reduce_min3A_17 : vector<64xi32> to vector<64x1x1xi32>
    %eq3A_19 = arith.constant 0 : i32
    %eq3A_20 = vector.broadcast %eq3A_19 : i32 to vector<64x8xi32>
    %eq3A_21 = arith.cmpi eq, %iota3A_8, %eq3A_20 : vector<64x8xi32>
    %squeeze3A = vector.shape_cast %broadcast_in_dim3A_14 : vector<64x1x1xf32> to vector<64x1xf32>
    %broadcast_in_dim3A_22 = vector.shape_cast %squeeze3A : vector<64x1xf32> to vector<64x1xf32>
    %broadcast_in_dim3A_23 = vector.broadcast %broadcast_in_dim3A_22 : vector<64x1xf32> to vector<64x8xf32>
    %select_n3A_24 = arith.select %eq3A_21, %broadcast_in_dim3A_23, %broadcast_in_dim3A_10 : vector<64x8xi1>, vector<64x8xf32>
    %eq3A_25 = arith.constant 0 : i32
    %eq3A_26 = vector.broadcast %eq3A_25 : i32 to vector<64x8xi32>
    %eq3A_27 = arith.cmpi eq, %iota3A_8, %eq3A_26 : vector<64x8xi32>
    %squeeze3A_28 = vector.shape_cast %broadcast_in_dim3A_18 : vector<64x1x1xi32> to vector<64x1xi32>
    %broadcast_in_dim3A_29 = vector.shape_cast %squeeze3A_28 : vector<64x1xi32> to vector<64x1xi32>
    %broadcast_in_dim3A_30 = vector.broadcast %broadcast_in_dim3A_29 : vector<64x1xi32> to vector<64x8xi32>
    %select_n3A_31 = arith.select %eq3A_27, %broadcast_in_dim3A_30, %broadcast_in_dim3A_12 : vector<64x8xi1>, vector<64x8xi32>
    %eq3A_32 = vector.broadcast %broadcast_in_dim3A_18 : vector<64x1x1xi32> to vector<64x8x800xi32>
    %eq3A_33 = arith.cmpi eq, %add3A_7, %eq3A_32 : vector<64x8x800xi32>
    %jit3A_34 = arith.constant 0xFF800000 : f32
    %broadcast_in_dim3A_35 = vector.broadcast %jit3A_34 : f32 to vector<64x8x800xf32>
    %select_n3A_36 = arith.select %eq3A_33, %broadcast_in_dim3A_35, %get3A_2 : vector<64x8x800xi1>, vector<64x8x800xf32>
    %reduce_max3A_37 = arith.constant dense<0xFF800000> : vector<64xf32>
    %reduce_max3A_38 = vector.multi_reduction <maximumf>, %select_n3A_36, %reduce_max3A_37 [1, 2] : vector<64x8x800xf32> to vector<64xf32>
    %broadcast_in_dim3A_39 = vector.shape_cast %reduce_max3A_38 : vector<64xf32> to vector<64x1x1xf32>
    %eq3A_40 = vector.broadcast %broadcast_in_dim3A_39 : vector<64x1x1xf32> to vector<64x8x800xf32>
    %eq3A_41 = arith.cmpf oeq, %select_n3A_36, %eq3A_40 : vector<64x8x800xf32>
    %jit3A_42 = arith.constant 1073741824 : i32
    %broadcast_in_dim3A_43 = vector.broadcast %jit3A_42 : i32 to vector<64x8x800xi32>
    %select_n3A_44 = arith.select %eq3A_41, %add3A_7, %broadcast_in_dim3A_43 : vector<64x8x800xi1>, vector<64x8x800xi32>
    %reduce_min3A_45 = arith.constant dense<2147483647> : vector<64xi32>
    %reduce_min3A_46 = vector.multi_reduction <minsi>, %select_n3A_44, %reduce_min3A_45 [1, 2] : vector<64x8x800xi32> to vector<64xi32>
    %broadcast_in_dim3A_47 = vector.shape_cast %reduce_min3A_46 : vector<64xi32> to vector<64x1x1xi32>
    %eq3A_48 = arith.constant 1 : i32
    %eq3A_49 = vector.broadcast %eq3A_48 : i32 to vector<64x8xi32>
    %eq3A_50 = arith.cmpi eq, %iota3A_8, %eq3A_49 : vector<64x8xi32>
    %squeeze3A_51 = vector.shape_cast %broadcast_in_dim3A_39 : vector<64x1x1xf32> to vector<64x1xf32>
    %broadcast_in_dim3A_52 = vector.shape_cast %squeeze3A_51 : vector<64x1xf32> to vector<64x1xf32>
    %broadcast_in_dim3A_53 = vector.broadcast %broadcast_in_dim3A_52 : vector<64x1xf32> to vector<64x8xf32>
    %select_n3A_54 = arith.select %eq3A_50, %broadcast_in_dim3A_53, %select_n3A_24 : vector<64x8xi1>, vector<64x8xf32>
    %eq3A_55 = arith.constant 1 : i32
    %eq3A_56 = vector.broadcast %eq3A_55 : i32 to vector<64x8xi32>
    %eq3A_57 = arith.cmpi eq, %iota3A_8, %eq3A_56 : vector<64x8xi32>
    %squeeze3A_58 = vector.shape_cast %broadcast_in_dim3A_47 : vector<64x1x1xi32> to vector<64x1xi32>
    %broadcast_in_dim3A_59 = vector.shape_cast %squeeze3A_58 : vector<64x1xi32> to vector<64x1xi32>
    %broadcast_in_dim3A_60 = vector.broadcast %broadcast_in_dim3A_59 : vector<64x1xi32> to vector<64x8xi32>
    %select_n3A_61 = arith.select %eq3A_57, %broadcast_in_dim3A_60, %select_n3A_31 : vector<64x8xi1>, vector<64x8xi32>
    %eq3A_62 = vector.broadcast %broadcast_in_dim3A_47 : vector<64x1x1xi32> to vector<64x8x800xi32>
    %eq3A_63 = arith.cmpi eq, %add3A_7, %eq3A_62 : vector<64x8x800xi32>
    %jit3A_64 = arith.constant 0xFF800000 : f32
    %broadcast_in_dim3A_65 = vector.broadcast %jit3A_64 : f32 to vector<64x8x800xf32>
    %select_n3A_66 = arith.select %eq3A_63, %broadcast_in_dim3A_65, %select_n3A_36 : vector<64x8x800xi1>, vector<64x8x800xf32>
    %reduce_max3A_67 = arith.constant dense<0xFF800000> : vector<64xf32>
    %reduce_max3A_68 = vector.multi_reduction <maximumf>, %select_n3A_66, %reduce_max3A_67 [1, 2] : vector<64x8x800xf32> to vector<64xf32>
    %broadcast_in_dim3A_69 = vector.shape_cast %reduce_max3A_68 : vector<64xf32> to vector<64x1x1xf32>
    %eq3A_70 = vector.broadcast %broadcast_in_dim3A_69 : vector<64x1x1xf32> to vector<64x8x800xf32>
    %eq3A_71 = arith.cmpf oeq, %select_n3A_66, %eq3A_70 : vector<64x8x800xf32>
    %jit3A_72 = arith.constant 1073741824 : i32
    %broadcast_in_dim3A_73 = vector.broadcast %jit3A_72 : i32 to vector<64x8x800xi32>
    %select_n3A_74 = arith.select %eq3A_71, %add3A_7, %broadcast_in_dim3A_73 : vector<64x8x800xi1>, vector<64x8x800xi32>
    %reduce_min3A_75 = arith.constant dense<2147483647> : vector<64xi32>
    %reduce_min3A_76 = vector.multi_reduction <minsi>, %select_n3A_74, %reduce_min3A_75 [1, 2] : vector<64x8x800xi32> to vector<64xi32>
    %broadcast_in_dim3A_77 = vector.shape_cast %reduce_min3A_76 : vector<64xi32> to vector<64x1x1xi32>
    %eq3A_78 = arith.constant 2 : i32
    %eq3A_79 = vector.broadcast %eq3A_78 : i32 to vector<64x8xi32>
    %eq3A_80 = arith.cmpi eq, %iota3A_8, %eq3A_79 : vector<64x8xi32>
    %squeeze3A_81 = vector.shape_cast %broadcast_in_dim3A_69 : vector<64x1x1xf32> to vector<64x1xf32>
    %broadcast_in_dim3A_82 = vector.shape_cast %squeeze3A_81 : vector<64x1xf32> to vector<64x1xf32>
    %broadcast_in_dim3A_83 = vector.broadcast %broadcast_in_dim3A_82 : vector<64x1xf32> to vector<64x8xf32>
    %select_n3A_84 = arith.select %eq3A_80, %broadcast_in_dim3A_83, %select_n3A_54 : vector<64x8xi1>, vector<64x8xf32>
    %eq3A_85 = arith.constant 2 : i32
    %eq3A_86 = vector.broadcast %eq3A_85 : i32 to vector<64x8xi32>
    %eq3A_87 = arith.cmpi eq, %iota3A_8, %eq3A_86 : vector<64x8xi32>
    %squeeze3A_88 = vector.shape_cast %broadcast_in_dim3A_77 : vector<64x1x1xi32> to vector<64x1xi32>
    %broadcast_in_dim3A_89 = vector.shape_cast %squeeze3A_88 : vector<64x1xi32> to vector<64x1xi32>
    %broadcast_in_dim3A_90 = vector.broadcast %broadcast_in_dim3A_89 : vector<64x1xi32> to vector<64x8xi32>
    %select_n3A_91 = arith.select %eq3A_87, %broadcast_in_dim3A_90, %select_n3A_61 : vector<64x8xi1>, vector<64x8xi32>
    %eq3A_92 = vector.broadcast %broadcast_in_dim3A_77 : vector<64x1x1xi32> to vector<64x8x800xi32>
    %eq3A_93 = arith.cmpi eq, %add3A_7, %eq3A_92 : vector<64x8x800xi32>
    %jit3A_94 = arith.constant 0xFF800000 : f32
    %broadcast_in_dim3A_95 = vector.broadcast %jit3A_94 : f32 to vector<64x8x800xf32>
    %select_n3A_96 = arith.select %eq3A_93, %broadcast_in_dim3A_95, %select_n3A_66 : vector<64x8x800xi1>, vector<64x8x800xf32>
    %reduce_max3A_97 = arith.constant dense<0xFF800000> : vector<64xf32>
    %reduce_max3A_98 = vector.multi_reduction <maximumf>, %select_n3A_96, %reduce_max3A_97 [1, 2] : vector<64x8x800xf32> to vector<64xf32>
    %broadcast_in_dim3A_99 = vector.shape_cast %reduce_max3A_98 : vector<64xf32> to vector<64x1x1xf32>
    %eq3A_100 = vector.broadcast %broadcast_in_dim3A_99 : vector<64x1x1xf32> to vector<64x8x800xf32>
    %eq3A_101 = arith.cmpf oeq, %select_n3A_96, %eq3A_100 : vector<64x8x800xf32>
    %jit3A_102 = arith.constant 1073741824 : i32
    %broadcast_in_dim3A_103 = vector.broadcast %jit3A_102 : i32 to vector<64x8x800xi32>
    %select_n3A_104 = arith.select %eq3A_101, %add3A_7, %broadcast_in_dim3A_103 : vector<64x8x800xi1>, vector<64x8x800xi32>
    %reduce_min3A_105 = arith.constant dense<2147483647> : vector<64xi32>
    %reduce_min3A_106 = vector.multi_reduction <minsi>, %select_n3A_104, %reduce_min3A_105 [1, 2] : vector<64x8x800xi32> to vector<64xi32>
    %broadcast_in_dim3A_107 = vector.shape_cast %reduce_min3A_106 : vector<64xi32> to vector<64x1x1xi32>
    %eq3A_108 = arith.constant 3 : i32
    %eq3A_109 = vector.broadcast %eq3A_108 : i32 to vector<64x8xi32>
    %eq3A_110 = arith.cmpi eq, %iota3A_8, %eq3A_109 : vector<64x8xi32>
    %squeeze3A_111 = vector.shape_cast %broadcast_in_dim3A_99 : vector<64x1x1xf32> to vector<64x1xf32>
    %broadcast_in_dim3A_112 = vector.shape_cast %squeeze3A_111 : vector<64x1xf32> to vector<64x1xf32>
    %broadcast_in_dim3A_113 = vector.broadcast %broadcast_in_dim3A_112 : vector<64x1xf32> to vector<64x8xf32>
    %select_n3A_114 = arith.select %eq3A_110, %broadcast_in_dim3A_113, %select_n3A_84 : vector<64x8xi1>, vector<64x8xf32>
    %eq3A_115 = arith.constant 3 : i32
    %eq3A_116 = vector.broadcast %eq3A_115 : i32 to vector<64x8xi32>
    %eq3A_117 = arith.cmpi eq, %iota3A_8, %eq3A_116 : vector<64x8xi32>
    %squeeze3A_118 = vector.shape_cast %broadcast_in_dim3A_107 : vector<64x1x1xi32> to vector<64x1xi32>
    %broadcast_in_dim3A_119 = vector.shape_cast %squeeze3A_118 : vector<64x1xi32> to vector<64x1xi32>
    %broadcast_in_dim3A_120 = vector.broadcast %broadcast_in_dim3A_119 : vector<64x1xi32> to vector<64x8xi32>
    %select_n3A_121 = arith.select %eq3A_117, %broadcast_in_dim3A_120, %select_n3A_91 : vector<64x8xi1>, vector<64x8xi32>
    %eq3A_122 = vector.broadcast %broadcast_in_dim3A_107 : vector<64x1x1xi32> to vector<64x8x800xi32>
    %eq3A_123 = arith.cmpi eq, %add3A_7, %eq3A_122 : vector<64x8x800xi32>
    %jit3A_124 = arith.constant 0xFF800000 : f32
    %broadcast_in_dim3A_125 = vector.broadcast %jit3A_124 : f32 to vector<64x8x800xf32>
    %select_n3A_126 = arith.select %eq3A_123, %broadcast_in_dim3A_125, %select_n3A_96 : vector<64x8x800xi1>, vector<64x8x800xf32>
    %reduce_max3A_127 = arith.constant dense<0xFF800000> : vector<64xf32>
    %reduce_max3A_128 = vector.multi_reduction <maximumf>, %select_n3A_126, %reduce_max3A_127 [1, 2] : vector<64x8x800xf32> to vector<64xf32>
    %broadcast_in_dim3A_129 = vector.shape_cast %reduce_max3A_128 : vector<64xf32> to vector<64x1x1xf32>
    %eq3A_130 = vector.broadcast %broadcast_in_dim3A_129 : vector<64x1x1xf32> to vector<64x8x800xf32>
    %eq3A_131 = arith.cmpf oeq, %select_n3A_126, %eq3A_130 : vector<64x8x800xf32>
    %jit3A_132 = arith.constant 1073741824 : i32
    %broadcast_in_dim3A_133 = vector.broadcast %jit3A_132 : i32 to vector<64x8x800xi32>
    %select_n3A_134 = arith.select %eq3A_131, %add3A_7, %broadcast_in_dim3A_133 : vector<64x8x800xi1>, vector<64x8x800xi32>
    %reduce_min3A_135 = arith.constant dense<2147483647> : vector<64xi32>
    %reduce_min3A_136 = vector.multi_reduction <minsi>, %select_n3A_134, %reduce_min3A_135 [1, 2] : vector<64x8x800xi32> to vector<64xi32>
    %broadcast_in_dim3A_137 = vector.shape_cast %reduce_min3A_136 : vector<64xi32> to vector<64x1x1xi32>
    %eq3A_138 = arith.constant 4 : i32
    %eq3A_139 = vector.broadcast %eq3A_138 : i32 to vector<64x8xi32>
    %eq3A_140 = arith.cmpi eq, %iota3A_8, %eq3A_139 : vector<64x8xi32>
    %squeeze3A_141 = vector.shape_cast %broadcast_in_dim3A_129 : vector<64x1x1xf32> to vector<64x1xf32>
    %broadcast_in_dim3A_142 = vector.shape_cast %squeeze3A_141 : vector<64x1xf32> to vector<64x1xf32>
    %broadcast_in_dim3A_143 = vector.broadcast %broadcast_in_dim3A_142 : vector<64x1xf32> to vector<64x8xf32>
    %select_n3A_144 = arith.select %eq3A_140, %broadcast_in_dim3A_143, %select_n3A_114 : vector<64x8xi1>, vector<64x8xf32>
    %eq3A_145 = arith.constant 4 : i32
    %eq3A_146 = vector.broadcast %eq3A_145 : i32 to vector<64x8xi32>
    %eq3A_147 = arith.cmpi eq, %iota3A_8, %eq3A_146 : vector<64x8xi32>
    %squeeze3A_148 = vector.shape_cast %broadcast_in_dim3A_137 : vector<64x1x1xi32> to vector<64x1xi32>
    %broadcast_in_dim3A_149 = vector.shape_cast %squeeze3A_148 : vector<64x1xi32> to vector<64x1xi32>
    %broadcast_in_dim3A_150 = vector.broadcast %broadcast_in_dim3A_149 : vector<64x1xi32> to vector<64x8xi32>
    %select_n3A_151 = arith.select %eq3A_147, %broadcast_in_dim3A_150, %select_n3A_121 : vector<64x8xi1>, vector<64x8xi32>
    %eq3A_152 = vector.broadcast %broadcast_in_dim3A_137 : vector<64x1x1xi32> to vector<64x8x800xi32>
    %eq3A_153 = arith.cmpi eq, %add3A_7, %eq3A_152 : vector<64x8x800xi32>
    %jit3A_154 = arith.constant 0xFF800000 : f32
    %broadcast_in_dim3A_155 = vector.broadcast %jit3A_154 : f32 to vector<64x8x800xf32>
    %select_n3A_156 = arith.select %eq3A_153, %broadcast_in_dim3A_155, %select_n3A_126 : vector<64x8x800xi1>, vector<64x8x800xf32>
    %reduce_max3A_157 = arith.constant dense<0xFF800000> : vector<64xf32>
    %reduce_max3A_158 = vector.multi_reduction <maximumf>, %select_n3A_156, %reduce_max3A_157 [1, 2] : vector<64x8x800xf32> to vector<64xf32>
    %broadcast_in_dim3A_159 = vector.shape_cast %reduce_max3A_158 : vector<64xf32> to vector<64x1x1xf32>
    %eq3A_160 = vector.broadcast %broadcast_in_dim3A_159 : vector<64x1x1xf32> to vector<64x8x800xf32>
    %eq3A_161 = arith.cmpf oeq, %select_n3A_156, %eq3A_160 : vector<64x8x800xf32>
    %jit3A_162 = arith.constant 1073741824 : i32
    %broadcast_in_dim3A_163 = vector.broadcast %jit3A_162 : i32 to vector<64x8x800xi32>
    %select_n3A_164 = arith.select %eq3A_161, %add3A_7, %broadcast_in_dim3A_163 : vector<64x8x800xi1>, vector<64x8x800xi32>
    %reduce_min3A_165 = arith.constant dense<2147483647> : vector<64xi32>
    %reduce_min3A_166 = vector.multi_reduction <minsi>, %select_n3A_164, %reduce_min3A_165 [1, 2] : vector<64x8x800xi32> to vector<64xi32>
    %broadcast_in_dim3A_167 = vector.shape_cast %reduce_min3A_166 : vector<64xi32> to vector<64x1x1xi32>
    %eq3A_168 = arith.constant 5 : i32
    %eq3A_169 = vector.broadcast %eq3A_168 : i32 to vector<64x8xi32>
    %eq3A_170 = arith.cmpi eq, %iota3A_8, %eq3A_169 : vector<64x8xi32>
    %squeeze3A_171 = vector.shape_cast %broadcast_in_dim3A_159 : vector<64x1x1xf32> to vector<64x1xf32>
    %broadcast_in_dim3A_172 = vector.shape_cast %squeeze3A_171 : vector<64x1xf32> to vector<64x1xf32>
    %broadcast_in_dim3A_173 = vector.broadcast %broadcast_in_dim3A_172 : vector<64x1xf32> to vector<64x8xf32>
    %select_n3A_174 = arith.select %eq3A_170, %broadcast_in_dim3A_173, %select_n3A_144 : vector<64x8xi1>, vector<64x8xf32>
    %eq3A_175 = arith.constant 5 : i32
    %eq3A_176 = vector.broadcast %eq3A_175 : i32 to vector<64x8xi32>
    %eq3A_177 = arith.cmpi eq, %iota3A_8, %eq3A_176 : vector<64x8xi32>
    %squeeze3A_178 = vector.shape_cast %broadcast_in_dim3A_167 : vector<64x1x1xi32> to vector<64x1xi32>
    %broadcast_in_dim3A_179 = vector.shape_cast %squeeze3A_178 : vector<64x1xi32> to vector<64x1xi32>
    %broadcast_in_dim3A_180 = vector.broadcast %broadcast_in_dim3A_179 : vector<64x1xi32> to vector<64x8xi32>
    %select_n3A_181 = arith.select %eq3A_177, %broadcast_in_dim3A_180, %select_n3A_151 : vector<64x8xi1>, vector<64x8xi32>
    %eq3A_182 = vector.broadcast %broadcast_in_dim3A_167 : vector<64x1x1xi32> to vector<64x8x800xi32>
    %eq3A_183 = arith.cmpi eq, %add3A_7, %eq3A_182 : vector<64x8x800xi32>
    %jit3A_184 = arith.constant 0xFF800000 : f32
    %broadcast_in_dim3A_185 = vector.broadcast %jit3A_184 : f32 to vector<64x8x800xf32>
    %select_n3A_186 = arith.select %eq3A_183, %broadcast_in_dim3A_185, %select_n3A_156 : vector<64x8x800xi1>, vector<64x8x800xf32>
    %reduce_max3A_187 = arith.constant dense<0xFF800000> : vector<64xf32>
    %reduce_max3A_188 = vector.multi_reduction <maximumf>, %select_n3A_186, %reduce_max3A_187 [1, 2] : vector<64x8x800xf32> to vector<64xf32>
    %broadcast_in_dim3A_189 = vector.shape_cast %reduce_max3A_188 : vector<64xf32> to vector<64x1x1xf32>
    %eq3A_190 = vector.broadcast %broadcast_in_dim3A_189 : vector<64x1x1xf32> to vector<64x8x800xf32>
    %eq3A_191 = arith.cmpf oeq, %select_n3A_186, %eq3A_190 : vector<64x8x800xf32>
    %jit3A_192 = arith.constant 1073741824 : i32
    %broadcast_in_dim3A_193 = vector.broadcast %jit3A_192 : i32 to vector<64x8x800xi32>
    %select_n3A_194 = arith.select %eq3A_191, %add3A_7, %broadcast_in_dim3A_193 : vector<64x8x800xi1>, vector<64x8x800xi32>
    %reduce_min3A_195 = arith.constant dense<2147483647> : vector<64xi32>
    %reduce_min3A_196 = vector.multi_reduction <minsi>, %select_n3A_194, %reduce_min3A_195 [1, 2] : vector<64x8x800xi32> to vector<64xi32>
    %broadcast_in_dim3A_197 = vector.shape_cast %reduce_min3A_196 : vector<64xi32> to vector<64x1x1xi32>
    %eq3A_198 = arith.constant 6 : i32
    %eq3A_199 = vector.broadcast %eq3A_198 : i32 to vector<64x8xi32>
    %eq3A_200 = arith.cmpi eq, %iota3A_8, %eq3A_199 : vector<64x8xi32>
    %squeeze3A_201 = vector.shape_cast %broadcast_in_dim3A_189 : vector<64x1x1xf32> to vector<64x1xf32>
    %broadcast_in_dim3A_202 = vector.shape_cast %squeeze3A_201 : vector<64x1xf32> to vector<64x1xf32>
    %broadcast_in_dim3A_203 = vector.broadcast %broadcast_in_dim3A_202 : vector<64x1xf32> to vector<64x8xf32>
    %select_n3A_204 = arith.select %eq3A_200, %broadcast_in_dim3A_203, %select_n3A_174 : vector<64x8xi1>, vector<64x8xf32>
    %eq3A_205 = arith.constant 6 : i32
    %eq3A_206 = vector.broadcast %eq3A_205 : i32 to vector<64x8xi32>
    %eq3A_207 = arith.cmpi eq, %iota3A_8, %eq3A_206 : vector<64x8xi32>
    %squeeze3A_208 = vector.shape_cast %broadcast_in_dim3A_197 : vector<64x1x1xi32> to vector<64x1xi32>
    %broadcast_in_dim3A_209 = vector.shape_cast %squeeze3A_208 : vector<64x1xi32> to vector<64x1xi32>
    %broadcast_in_dim3A_210 = vector.broadcast %broadcast_in_dim3A_209 : vector<64x1xi32> to vector<64x8xi32>
    %select_n3A_211 = arith.select %eq3A_207, %broadcast_in_dim3A_210, %select_n3A_181 : vector<64x8xi1>, vector<64x8xi32>
    %eq3A_212 = vector.broadcast %broadcast_in_dim3A_197 : vector<64x1x1xi32> to vector<64x8x800xi32>
    %eq3A_213 = arith.cmpi eq, %add3A_7, %eq3A_212 : vector<64x8x800xi32>
    %jit3A_214 = arith.constant 0xFF800000 : f32
    %broadcast_in_dim3A_215 = vector.broadcast %jit3A_214 : f32 to vector<64x8x800xf32>
    %select_n3A_216 = arith.select %eq3A_213, %broadcast_in_dim3A_215, %select_n3A_186 : vector<64x8x800xi1>, vector<64x8x800xf32>
    %reduce_max3A_217 = arith.constant dense<0xFF800000> : vector<64xf32>
    %reduce_max3A_218 = vector.multi_reduction <maximumf>, %select_n3A_216, %reduce_max3A_217 [1, 2] : vector<64x8x800xf32> to vector<64xf32>
    %broadcast_in_dim3A_219 = vector.shape_cast %reduce_max3A_218 : vector<64xf32> to vector<64x1x1xf32>
    %eq3A_220 = vector.broadcast %broadcast_in_dim3A_219 : vector<64x1x1xf32> to vector<64x8x800xf32>
    %eq3A_221 = arith.cmpf oeq, %select_n3A_216, %eq3A_220 : vector<64x8x800xf32>
    %jit3A_222 = arith.constant 1073741824 : i32
    %broadcast_in_dim3A_223 = vector.broadcast %jit3A_222 : i32 to vector<64x8x800xi32>
    %select_n3A_224 = arith.select %eq3A_221, %add3A_7, %broadcast_in_dim3A_223 : vector<64x8x800xi1>, vector<64x8x800xi32>
    %reduce_min3A_225 = arith.constant dense<2147483647> : vector<64xi32>
    %reduce_min3A_226 = vector.multi_reduction <minsi>, %select_n3A_224, %reduce_min3A_225 [1, 2] : vector<64x8x800xi32> to vector<64xi32>
    %broadcast_in_dim3A_227 = vector.shape_cast %reduce_min3A_226 : vector<64xi32> to vector<64x1x1xi32>
    %eq3A_228 = arith.constant 7 : i32
    %eq3A_229 = vector.broadcast %eq3A_228 : i32 to vector<64x8xi32>
    %eq3A_230 = arith.cmpi eq, %iota3A_8, %eq3A_229 : vector<64x8xi32>
    %squeeze3A_231 = vector.shape_cast %broadcast_in_dim3A_219 : vector<64x1x1xf32> to vector<64x1xf32>
    %broadcast_in_dim3A_232 = vector.shape_cast %squeeze3A_231 : vector<64x1xf32> to vector<64x1xf32>
    %broadcast_in_dim3A_233 = vector.broadcast %broadcast_in_dim3A_232 : vector<64x1xf32> to vector<64x8xf32>
    %select_n3A_234 = arith.select %eq3A_230, %broadcast_in_dim3A_233, %select_n3A_204 : vector<64x8xi1>, vector<64x8xf32>
    %eq3A_235 = arith.constant 7 : i32
    %eq3A_236 = vector.broadcast %eq3A_235 : i32 to vector<64x8xi32>
    %eq3A_237 = arith.cmpi eq, %iota3A_8, %eq3A_236 : vector<64x8xi32>
    %squeeze3A_238 = vector.shape_cast %broadcast_in_dim3A_227 : vector<64x1x1xi32> to vector<64x1xi32>
    %broadcast_in_dim3A_239 = vector.shape_cast %squeeze3A_238 : vector<64x1xi32> to vector<64x1xi32>
    %broadcast_in_dim3A_240 = vector.broadcast %broadcast_in_dim3A_239 : vector<64x1xi32> to vector<64x8xi32>
    %select_n3A_241 = arith.select %eq3A_237, %broadcast_in_dim3A_240, %select_n3A_211 : vector<64x8xi1>, vector<64x8xi32>
    %get3A_242 = arith.constant 0 : index
    %get3A_243 = arith.constant 0 : index
    %get3A_244 = vector.load %arg3[%get3A_242, %get3A_243] : memref<64x1xf32, #tpu.memory_space<vmem>>, vector<64x1xf32>
    %sub3A = vector.broadcast %get3A_244 : vector<64x1xf32> to vector<64x8xf32>
    %sub3A_245 = arith.subf %select_n3A_234, %sub3A : vector<64x8xf32>
    %get3A_246 = arith.constant 0 : index
    %get3A_247 = arith.constant 0 : index
    %get3A_248 = vector.load %arg4[%get3A_246, %get3A_247] : memref<64x1xf32, #tpu.memory_space<vmem>>, vector<64x1xf32>
    %sub3A_249 = vector.broadcast %get3A_248 : vector<64x1xf32> to vector<64x8xf32>
    %sub3A_250 = arith.subf %sub3A_245, %sub3A_249 : vector<64x8xf32>
    %swap3A = arith.constant 0 : index
    %swap3A_251 = arith.constant 0 : index
    %swap3A_252 = vector.load %arg5[%swap3A, %swap3A_251] : memref<64x8xf32, #tpu.memory_space<vmem>>, vector<64x8xf32>
    tpu.vector_store %arg5[%swap3A, %swap3A_251], %sub3A_250 {strides = array<i32>} : memref<64x8xf32, #tpu.memory_space<vmem>>, vector<64x8xf32>,
    %swap3A_253 = arith.constant 0 : index
    %swap3A_254 = arith.constant 0 : index
    %swap3A_255 = vector.load %arg6[%swap3A_253, %swap3A_254] : memref<64x8xi32, #tpu.memory_space<vmem>>, vector<64x8xi32>
    tpu.vector_store %arg6[%swap3A_253, %swap3A_254], %select_n3A_241 {strides = array<i32>} : memref<64x8xi32, #tpu.memory_space<vmem>>, vector<64x8xi32>,
    return
  }
  func.func @transform_0(%arg0: i32) -> (i32, i32, i32) {
    %c0_i32 = arith.constant 0 : i32
    %c0_i32_0 = arith.constant 0 : i32
    %c0_i32_1 = arith.constant 0 : i32
    return %arg0, %c0_i32, %c0_i32_0 : i32, i32, i32
  }
  func.func @transform_1(%arg0: i32) -> (i32, i32) {
    %c0_i32 = arith.constant 0 : i32
    %c0_i32_0 = arith.constant 0 : i32
    return %arg0, %c0_i32 : i32, i32
  }
  func.func @transform_2(%arg0: i32) -> (i32, i32) {
    %c0_i32 = arith.constant 0 : i32
    %c0_i32_0 = arith.constant 0 : i32
    return %arg0, %c0_i32 : i32, i32
  }
  func.func @transform_3(%arg0: i32) -> (i32, i32) {
    %c0_i32 = arith.constant 0 : i32
    %c0_i32_0 = arith.constant 0 : i32
    return %arg0, %c0_i32 : i32, i32
  }
  func.func @transform_4(%arg0: i32) -> (i32, i32) {
    %c0_i32 = arith.constant 0 : i32
    %c0_i32_0 = arith.constant 0 : i32
    return %arg0, %c0_i32 : i32, i32
  }
  func.func @transform_5(%arg0: i32) -> (i32, i32) {
    %c0_i32 = arith.constant 0 : i32
    %c0_i32_0 = arith.constant 0 : i32
    return %arg0, %c0_i32 : i32, i32
  }
}

module attributes {stable_mosaic.version = 14 : i64} {
  func.func @_merge_body(%arg0: memref<64x64xf32, #tpu.memory_space<vmem>>, %arg1: memref<64x64xi32, #tpu.memory_space<vmem>>, %arg2: memref<64x64xf32, #tpu.memory_space<vmem>>, %arg3: memref<64x48xf32, #tpu.memory_space<vmem>>, %arg4: memref<64x48xi32, #tpu.memory_space<vmem>>) attributes {dimension_semantics = [], scalar_prefetch = 0 : i64, scratch_operands = 0 : i64, tpu.core_type = #tpu.core_type<tc>} {
    %get3A = arith.constant 0 : index
    %get3A_0 = arith.constant 0 : index
    %get3A_1 = vector.load %arg0[%get3A, %get3A_0] : memref<64x64xf32, #tpu.memory_space<vmem>>, vector<64x64xf32>
    %get3A_2 = arith.constant 0 : index
    %get3A_3 = arith.constant 0 : index
    %get3A_4 = vector.load %arg2[%get3A_2, %get3A_3] : memref<64x64xf32, #tpu.memory_space<vmem>>, vector<64x64xf32>
    %add3A = arith.addf %get3A_1, %get3A_4 : vector<64x64xf32>
    %get3A_5 = arith.constant 0 : index
    %get3A_6 = arith.constant 0 : index
    %get3A_7 = vector.load %arg1[%get3A_5, %get3A_6] : memref<64x64xi32, #tpu.memory_space<vmem>>, vector<64x64xi32>
    %iota3A = tpu.iota {dimensions = array<i32: 1>} : vector<64x64xi32>
    %iota3A_8 = tpu.iota {dimensions = array<i32: 1>} : vector<64x48xi32>
    %broadcast_in_dim3A = arith.constant 0.000000e+00 : f32
    %broadcast_in_dim3A_9 = vector.broadcast %broadcast_in_dim3A : f32 to vector<64x48xf32>
    %broadcast_in_dim3A_10 = arith.constant 0 : i32
    %broadcast_in_dim3A_11 = vector.broadcast %broadcast_in_dim3A_10 : i32 to vector<64x48xi32>
    %scan3A = arith.constant 0 : i32
    %scan3A_12 = arith.constant 48 : i32
    %scan3A_13 = arith.addi %scan3A, %scan3A_12 : i32
    %scan3A_14 = arith.constant 1 : i32
    %scan3A_15:3 = scf.for %scan3A_22 = %scan3A to %scan3A_13 step %scan3A_14 iter_args(%scan3A_23 = %add3A, %scan3A_24 = %broadcast_in_dim3A_9, %scan3A_25 = %broadcast_in_dim3A_11) -> (vector<64x64xf32>, vector<64x48xf32>, vector<64x48xi32>)  : i32 {
      %reduce_max3A = arith.constant dense<0xFF800000> : vector<64xf32>
      %reduce_max3A_26 = vector.multi_reduction <maximumf>, %scan3A_23, %reduce_max3A [1] : vector<64x64xf32> to vector<64xf32>
      %broadcast_in_dim3A_27 = vector.shape_cast %reduce_max3A_26 : vector<64xf32> to vector<64x1xf32>
      %eq3A = vector.broadcast %broadcast_in_dim3A_27 : vector<64x1xf32> to vector<64x64xf32>
      %eq3A_28 = arith.cmpf oeq, %scan3A_23, %eq3A : vector<64x64xf32>
      %jit3A = arith.constant 1073741824 : i32
      %broadcast_in_dim3A_29 = vector.broadcast %jit3A : i32 to vector<64x64xi32>
      %select_n3A = arith.select %eq3A_28, %iota3A, %broadcast_in_dim3A_29 : vector<64x64xi1>, vector<64x64xi32>
      %reduce_min3A = arith.constant dense<2147483647> : vector<64xi32>
      %reduce_min3A_30 = vector.multi_reduction <minsi>, %select_n3A, %reduce_min3A [1] : vector<64x64xi32> to vector<64xi32>
      %broadcast_in_dim3A_31 = vector.shape_cast %reduce_min3A_30 : vector<64xi32> to vector<64x1xi32>
      %eq3A_32 = vector.broadcast %broadcast_in_dim3A_31 : vector<64x1xi32> to vector<64x64xi32>
      %eq3A_33 = arith.cmpi eq, %iota3A, %eq3A_32 : vector<64x64xi32>
      %jit3A_34 = arith.constant 1073741824 : i32
      %broadcast_in_dim3A_35 = vector.broadcast %jit3A_34 : i32 to vector<64x64xi32>
      %select_n3A_36 = arith.select %eq3A_33, %get3A_7, %broadcast_in_dim3A_35 : vector<64x64xi1>, vector<64x64xi32>
      %reduce_min3A_37 = arith.constant dense<2147483647> : vector<64xi32>
      %reduce_min3A_38 = vector.multi_reduction <minsi>, %select_n3A_36, %reduce_min3A_37 [1] : vector<64x64xi32> to vector<64xi32>
      %broadcast_in_dim3A_39 = vector.shape_cast %reduce_min3A_38 : vector<64xi32> to vector<64x1xi32>
      %eq3A_40 = vector.broadcast %scan3A_22 : i32 to vector<64x48xi32>
      %eq3A_41 = arith.cmpi eq, %iota3A_8, %eq3A_40 : vector<64x48xi32>
      %broadcast_in_dim3A_42 = vector.shape_cast %broadcast_in_dim3A_27 : vector<64x1xf32> to vector<64x1xf32>
      %broadcast_in_dim3A_43 = vector.broadcast %broadcast_in_dim3A_42 : vector<64x1xf32> to vector<64x48xf32>
      %select_n3A_44 = arith.select %eq3A_41, %broadcast_in_dim3A_43, %scan3A_24 : vector<64x48xi1>, vector<64x48xf32>
      %eq3A_45 = vector.broadcast %scan3A_22 : i32 to vector<64x48xi32>
      %eq3A_46 = arith.cmpi eq, %iota3A_8, %eq3A_45 : vector<64x48xi32>
      %broadcast_in_dim3A_47 = vector.shape_cast %broadcast_in_dim3A_39 : vector<64x1xi32> to vector<64x1xi32>
      %broadcast_in_dim3A_48 = vector.broadcast %broadcast_in_dim3A_47 : vector<64x1xi32> to vector<64x48xi32>
      %select_n3A_49 = arith.select %eq3A_46, %broadcast_in_dim3A_48, %scan3A_25 : vector<64x48xi1>, vector<64x48xi32>
      %eq3A_50 = vector.broadcast %broadcast_in_dim3A_31 : vector<64x1xi32> to vector<64x64xi32>
      %eq3A_51 = arith.cmpi eq, %iota3A, %eq3A_50 : vector<64x64xi32>
      %jit3A_52 = arith.constant 0xFF800000 : f32
      %broadcast_in_dim3A_53 = vector.broadcast %jit3A_52 : f32 to vector<64x64xf32>
      %select_n3A_54 = arith.select %eq3A_51, %broadcast_in_dim3A_53, %scan3A_23 : vector<64x64xi1>, vector<64x64xf32>
      scf.yield %select_n3A_54, %select_n3A_44, %select_n3A_49 : vector<64x64xf32>, vector<64x48xf32>, vector<64x48xi32>
    }
    %scan3A_16 = arith.constant 48 : i32
    %swap3A = arith.constant 0 : index
    %swap3A_17 = arith.constant 0 : index
    %swap3A_18 = vector.load %arg3[%swap3A, %swap3A_17] : memref<64x48xf32, #tpu.memory_space<vmem>>, vector<64x48xf32>
    tpu.vector_store %arg3[%swap3A, %swap3A_17], %scan3A_15#1 {strides = array<i32>} : memref<64x48xf32, #tpu.memory_space<vmem>>, vector<64x48xf32>,
    %swap3A_19 = arith.constant 0 : index
    %swap3A_20 = arith.constant 0 : index
    %swap3A_21 = vector.load %arg4[%swap3A_19, %swap3A_20] : memref<64x48xi32, #tpu.memory_space<vmem>>, vector<64x48xi32>
    tpu.vector_store %arg4[%swap3A_19, %swap3A_20], %scan3A_15#2 {strides = array<i32>} : memref<64x48xi32, #tpu.memory_space<vmem>>, vector<64x48xi32>,
    return
  }
}

</mosaic_0001>

<sc_bundles>
// kernel: kernel.7.cloned.1.call-start
scs
__scs_entry_jumppad:
0x0: {  	(pc) =	sbr.rel $0x88, $3  }
0x1: {  	(tag) =	ssettag $0x0;
	lr =	simm.s32 $0x1  }
0x2: {  	[smem:$0x3F9F] =	sst lr;
	_ =	strace $0xD0000000  }
0x3: {  	_ = 	snop  }
0x4: {  	_ = 	snop  }
0x5: {  	_ = 	snop  }
0x6: {  	_ = 	snop  }
0x7: {  	_ = 	snop  }
__scs_overlays_trampoline_lowered:
0x8: {  	[smem:$0x3FAE] =	sst s0  }
0x9: {  	[smem:$0x3FAF] =	sst s1  }
0xa: {  	[smem:$0x3FB0] =	sst s2  }
0xb: {  	[smem:$0x3FB1] =	sst s3  }
0xc: {  	[smem:$0x3FB2] =	sst s4  }
0xd: {  	[smem:$0x3FB3] =	sst s5  }
0xe: {  	[smem:$0x3FB4] =	sst s6  }
0xf: {  	[smem:$0x3FB5] =	sst s7  }
0x10: {  	[smem:$0x3FB6] =	sst s8  }
0x11: {  	[smem:$0x3FB7] =	sst s9;
	s0 =	simm.s32 @!p0 $0x0  }
0x12: {  	s1 =	sld [smem:$0x3F9D];
	s0 =	simm.s32 @p0 $0x1  }
0x13: {  	[smem:$0x3FB8] =	sst s0;
	s0 =	simm.s32 @!p1 $0x0  }
0x14: {  	s2 =	sld [smem:$0x3F9C];
	s0 =	simm.s32 @p1 $0x1  }
0x15: {  	[smem:$0x3FB9] =	sst s0;
	s0 =	simm.s32 @!p2 $0x0  }
0x16: {  	s3 =	sld [smem:$0x3FDB];
	s0 =	simm.s32 @p2 $0x1  }
0x17: {  	s4 =	simm.s32 $0x1BF5;
	[smem:$0x3FBB] =	sst s0  }
0x18: {  	s0 =	sld [smem:$0x3F9E];
	_ =	swait.ge [sflag:s4], $0x0  }
0x19: {  	s7 =	sld [smem:$0x3F9F]  }
0x1a: {  	s8 =	sadd.s32 $0xFFFFE003, lr  }
0x1b: {  	s9 =	sadd.s32 $0xFFFFFEF7, lr;
	s5 =	simm.s32 $0xFFFFFFFF;
	p2 =	slt.u32 s8, $0xFFFFF086  }
0x1c: {  	p1 =	slt.u32 s9, $0xF7A;
	s5 =	simm.s32 @!p2 $0x0  }
0x1d: {  	s5 =	simm.s32 @p1 $0x1;
	p0 =	seq.s32 s7, s2  }
0x1e: {  	s7 =	smul.u32 @!p0 $0xF7A, s2;
	p2 =	seq.s32 @!p0 s5, $0x0  }
0x1f: {  	s9 =	smul.u32 $0xF7A, s1;
	s8 =	simm.s32 @!p0 $0x1BF5;
	p2 =	por !p2, p0  }
0x20: {  	[sflag:s8] =	ssyncset.s32 @!p0 $0xFFFFF086;
	s6 =	sadd.s32 @!p0 s3, s7;
	s7 =	simm.s32 @!p0 $0x108  }
0x21: {  	s3 =	sadd.s32 s3, s9;
	s6 =	sadd.s32 @!p0 $0x88, s6;
	s7 =	simm.s32 @p2 $0x1082  }
0x22: {  	[simem:s7], [sflag:s8] =	dma.local @!p0 [hbm:s6], $0xF7A  }
0x23: {  	s9 =	sor.u32 $0xD0000000, s2;
	s6 =	simm.s32 $0x108;
	_ =	swait.ge @!p0 [sflag:s8], $0x0  }
0x24: {  	s3 =	sadd.s32 $0x88, s3;
	s6 =	simm.s32 @!p1 $0x1082;
	[sflag:s4] =	ssyncset.s32 $0xFFFFF086  }
0x25: {  	[simem:s6], [sflag:s4] =	dma.local [hbm:s3], $0xF7A  }
0x26: {  	[smem:$0x3F9F] =	sst s1;
	(tag) =	ssettag s2;
	_ =	strace s9  }
0x27: {  	s1 =	sld [smem:$0x3FAF]  }
0x28: {  	s2 =	sld [smem:$0x3FB0]  }
0x29: {  	s4 =	sld [smem:$0x3FB2]  }
0x2a: {  	p0 =	seq.s32 s5, $0x0;
	s5 =	sld [smem:$0x3FB3]  }
0x2b: {  	s6 =	sld [smem:$0x3FB4]  }
0x2c: {  	s7 =	sld [smem:$0x3FB5]  }
0x2d: {  	s3 =	simm.s32 $0x108;
	s8 =	sld [smem:$0x3FB6]  }
0x2e: {  	s3 =	simm.s32 @!p0 $0x1082;
	s9 =	sld [smem:$0x3FB7]  }
0x2f: {  	lr =	sadd.s32 s0, s3;
	s0 =	sld [smem:$0x3FAE]  }
0x30: {  	s3 =	sld [smem:$0x3FB1]  }
0x31: {  	[smem:$0x3FBA] =	sst s10  }
0x32: {  	s10 =	sld [smem:$0x3FB8];
	_ =	sdelay $0x3  }
0x33: {  	p0 =	seq.s32 s10, $0x1;
	s10 =	sld [smem:$0x3FBA];
	_ =	sdelay $0x3  }
0x34: {  	[smem:$0x3FBA] =	sst s10  }
0x35: {  	s10 =	sld [smem:$0x3FB9];
	_ =	sdelay $0x3  }
0x36: {  	p1 =	seq.s32 s10, $0x1;
	s10 =	sld [smem:$0x3FBA];
	_ =	sdelay $0x3  }
0x37: {  	[smem:$0x3FBA] =	sst s10  }
0x38: {  	s10 =	sld [smem:$0x3FBB]  }
0x39: {  	_ = 	snop;
	(pc) =	sbr.ind lr, $3  }
0x3a: {  	_ = 	snop  }
0x3b: {  	_ = 	snop  }
0x3c: {  	p2 =	seq.s32 s10, $0x1;
	s10 =	sld [smem:$0x3FBA]  }
0x3d: {  	_ =	shalt  }
0x3e: {  	_ =	shalt  }
0x3f: {  	_ =	shalt  }
0x40: {  	_ =	shalt  }
0x41: {  	_ =	shalt  }
0x42: {  	_ =	shalt  }
0x43: {  	_ =	shalt  }
0x44: {  	_ =	shalt  }
0x45: {  	_ =	shalt  }
0x46: {  	_ =	shalt  }
0x47: {  	_ =	shalt  }
0x48: {  	_ =	shalt  }
0x49: {  	_ =	shalt  }
0x4a: {  	_ =	shalt  }
0x4b: {  	_ =	shalt  }
0x4c: {  	_ =	shalt  }
0x4d: {  	_ =	shalt  }
0x4e: {  	_ =	shalt  }
0x4f: {  	_ =	shalt  }
0x50: {  	_ =	shalt  }
0x51: {  	_ =	shalt  }
0x52: {  	_ =	shalt  }
0x53: {  	_ =	shalt  }
0x54: {  	_ =	shalt  }
0x55: {  	_ =	shalt  }
0x56: {  	_ =	shalt  }
0x57: {  	_ =	shalt  }
0x58: {  	_ =	shalt  }
0x59: {  	_ =	shalt  }
0x5a: {  	_ =	shalt  }
0x5b: {  	_ =	shalt  }
0x5c: {  	_ =	shalt  }
0x5d: {  	_ =	shalt  }
0x5e: {  	_ =	shalt  }
0x5f: {  	_ =	shalt  }
0x60: {  	_ =	shalt  }
0x61: {  	_ =	shalt  }
0x62: {  	_ =	shalt  }
0x63: {  	_ =	shalt  }
0x64: {  	_ =	shalt  }
0x65: {  	_ =	shalt  }
0x66: {  	_ =	shalt  }
0x67: {  	_ =	shalt  }
0x68: {  	_ =	shalt  }
0x69: {  	_ =	shalt  }
0x6a: {  	_ =	shalt  }
0x6b: {  	_ =	shalt  }
0x6c: {  	_ =	shalt  }
0x6d: {  	_ =	shalt  }
0x6e: {  	_ =	shalt  }
0x6f: {  	_ =	shalt  }
0x70: {  	_ =	shalt  }
0x71: {  	_ =	shalt  }
0x72: {  	_ =	shalt  }
0x73: {  	_ =	shalt  }
0x74: {  	_ =	shalt  }
0x75: {  	_ =	shalt  }
0x76: {  	_ =	shalt  }
0x77: {  	_ =	shalt  }
0x78: {  	_ =	shalt  }
0x79: {  	_ =	shalt  }
0x7a: {  	_ =	shalt  }
0x7b: {  	_ =	shalt  }
0x7c: {  	_ =	shalt  }
0x7d: {  	_ =	shalt  }
0x7e: {  	_ =	shalt  }
0x7f: {  	_ =	shalt  }
0x80: {  	_ =	shalt  }
0x81: {  	_ =	shalt  }
0x82: {  	_ =	shalt  }
0x83: {  	_ =	shalt  }
0x84: {  	_ =	shalt  }
0x85: {  	_ =	shalt  }
0x86: {  	_ =	shalt  }
0x87: {  	_ =	shalt  }
.Lfunc_end0:
.L_simem_size_0:
called_computation_lowered:
.L_overlay_start_0:
0x88: {  	s2 =	sld [smem:$0x3FD9]  }
0x89: {  	s3 =	sld [smem:$0x3FFE];
	_ =	sdelay $0x1  }
0x8a: {  	s1 =	srdreg.scid  }
0x8b: {  	s0 =	sand.u32 $0x1, s1  }
0x8c: {  	s14 =	sshll.u32 s0, $0xA;
	s2 =	sadd.s32 s3, s2  }
0x8d: {  	s2 =	sadd.s32 s2, s14  }
0x8e: {  	[smem:$0x3FC6] =	sst s2  }
0x8f: {  	_ = 	snop  }
0x90: {  	s2 =	sld [smem:$0x3FD0];
	_ =	sdelay $0x2  }
0x91: {  	s15 =	simm.s32 $0xA;
	s4 =	simm.s32 $0x10  }
0x92: {  	[smem:s4], [sflag:s15] =	dma.local [hbm:s2], $0x1  }
0x93: {  	_ =	swait.eq [sflag:s15], $0x1  }
0x94: {  	[sflag:s15] =	ssyncset.done $0x0  }
0x95: {  	[sflag:s15] =	ssyncadd.s32 $0xFFFFFFFF  }
0x96: {  	s16 =	sld [smem:$0x11];
	(tm) =	ssettm $0x1  }
0x97: {  	s17 =	sld [smem:$0x3FFB];
	_ =	sdelay $0x3  }
0x98: {  	_ =	strace s17  }
0x99: {  	s3 =	sld [smem:$0x3FFC];
	_ =	sdelay $0x3  }
0x9a: {  	_ =	strace s3  }
0x9b: {  	s3 =	sld [smem:$0x3FFD];
	_ =	sdelay $0x3  }
0x9c: {  	_ =	strace s3  }
0x9d: {  	_ =	strace $0x8FFFFFFF  }
0x9e: {  	s18 =	sld [smem:$0x3FDB];
	_ =	sdelay $0x1  }
0x9f: {  	s19 =	simm.s32 $_scs_section_size  }
0xa0: {  	s5 =	simm.s32 $_size__tile_overlayer_lowered;
	s6 =	simm.s32 $_tile_overlayer_lowered  }
0xa1: {  	s22 =	simm.s32 $0x1BFF;
	s21 =	sshll.u32 s6, $0x1;
	s3 =	sadd.s32 s19, s18  }
0xa2: {  	s7 =	simm.s32 $0x0;
	s20 =	sshll.u32 s5, $0x1;
	s5 =	sadd.s32 s21, s3  }
0xa3: {  	[timem:s7], [sflag:s22] =	dma.local [hbm:s5], s20  }
0xa4: {  	_ =	swait.ge [sflag:s22], s20  }
0xa5: {  	s4 =	ssub.s32 $0x0, s20;
	[sflag:s22] =	ssyncset.done $0x0  }
0xa6: {  	[sflag:s22] =	ssyncadd.s32 s4;
	_ =	sdelay $0x1  }
0xa7: {  	s23 =	simm.s32 $0x1B8B  }
0xa8: {  	_ =	swait.ge [sflag:s23], $0x1  }
0xa9: {  	[sflag:s23] =	ssyncset.done $0x0  }
0xaa: {  	s25 =	simm.s32 $0x1B8E;
	s24 =	sld [smem:$0x3FFE];
	[sflag:s23] =	ssyncadd.s32 $0xFFFFFFFF  }
0xab: {  	s26 =	simm.s32 $execute0_lowered;
	[smem:$0x3FD2] =	sst s25  }
0xac: {  	s5 =	sshll.u32 s26, $0x1;
	_ =	strace $0x80000046;
	[dreg:$0x1] =	wrdreg $0xFFFFFFFF  }
0xad: {  	s28 =	simm.s32 $_size_execute0_lowered;
	s3 =	sadd.s32 s3, s5;
	[dreg:$0x0] =	wrdreg $0x0  }
0xae: {  	s5 =	sshll.u32 s28, $0x1;
	[dreg:$0x2] =	wrdreg s3  }
0xaf: {  	[dreg:$0x3] =	wrdreg s5  }
0xb0: {  	[dreg:$0x4] =	wrdreg $0xC0  }
0xb1: {  	_ =	task [dreg:s7], $0x5FFFF  }
0xb2: {  	[dreg:$0x1] =	wrdreg $0xFFFFFFFF  }
0xb3: {  	[dreg:$0x0] =	wrdreg $0x60  }
0xb4: {  	[dreg:$0x2] =	wrdreg s16  }
0xb5: {  	[dreg:$0x3] =	wrdreg s24  }
0xb6: {  	[dreg:$0x4] =	wrdreg $0x9  }
0xb7: {  	_ =	task.clear_ibuf [dreg:s7], $0x5FFFF;
	_ =	strace $0x90000046  }
0xb8: {  	s29 =	simm.s32 $0x9;
	_ =	strace $0x80000048  }
0xb9: {  	_ =	swait.ge [sflag:s29], $0x1  }
0xba: {  	[sflag:s29] =	ssyncadd.s32 $0xFFFFFFFF  }
0xbb: {  	_ =	strace $0x90000048  }
0xbc: {  	_ =	sfence  }
0xbd: {  	s30 =	sld [smem:$0x0];
	_ =	sdelay $0x2  }
0xbe: {  	s31 =	sshll.u32 s1, $0xD;
	s1 =	sshrl.u32 s1, $0x2  }
0xbf: {  	s3 =	sand.u32 $0x4000, s31;
	s1 =	sadd.s32 s1, s30  }
0xc0: {  	s0 =	sor.u32 s3, s0;
	s1 =	sshll.u32 s1, $0x11  }
0xc1: {  	s0 =	sor.u32 s1, s0  }
0xc2: {  	s0 =	sadd.s32 $0x8F2B, s0  }
0xc3: {  	[sflag:s0] =	ssyncadd.remote.s32 $0x1  }
0xc4: {  	_ =	sfence.sel $0xFFFF  }
0xc5: {  	[dreg:$0x0] =	wrdreg $0xFFFFFFFF;
	(pc) =	sbr.abs _section_cstart, $3  }
0xc6: {  	[dreg:$0x1] =	wrdreg $0xFFFFFFFF  }
0xc7: {  	_ =	task.clear_ibuf [dreg:s7], $0x2FFFF;
	_ =	strace $0x9FFFFFFF  }
0xc8: {  	(tm) =	ssettm $0x7FFFFFFF  }
0xc9: {  	_ =	shalt  }
tec
execute0_lowered:
.L_overlay_start_1:
0x0: {  	(tag) =	ssettag $0x1  }
0x1: {  	s1 =	srdreg.scid  }
0x2: {  	s3 =	rddreg [dreg:$0x0];
	s0 =	stileid.u32  }
0x3: {  	s8 =	rddreg [dreg:$0x1];
	s2 =	simm.s32 $0x0;
	s6 =	sand.u32 $0x1, s1  }
0x4: {  	s4 =	sshll.u32 s0, $0x8;
	[smem:$0x7FF] =	sst s2;
	s5 =	sshll.u32 s6, $0x7  }
0x5: {  	s1 =	rddreg [dreg:$0x2];
	_ =	strace $0x80000047;
	s7 =	sor.u32 s5, s4  }
0x6: {  	s10 =	ssub.s32 $0x2, s6;
	s6 =	simm.s32 $0x80;
	s4 =	sshrl.u32 s7, $0x3  }
0x7: {  	s5 =	sadd.s32 $0x5A00, s8;
	s4 =	sadd.s32 s3, s4;
	s3 =	simm.s32 $0x2  }
0x8: {  	[tilespmem:s2], [sflag:$0x2] =	stream.linear.gather [hbm4b:s4+s2], $0x80, $0x38;
	[tilespmem:$0x19080] =	vst v63  }
0x9: {  	s11 =	sshrl.u32 s10, $0x1;
	s9 =	smul.u32 $0x64, s7;
	_ =	swait.ge [sflag:s3], $0x80  }
0xa: {  	s7 =	simm.s32 $0x1;
	s31 =	ssub.s32 s10, s11;
	[sflag:s3] =	ssyncset.done $0x0  }
0xb: {  	s8 =	sadd.s32 s9, s8;
	s9 =	smax.u32 s31, $0x1;
	[sflag:s3] =	ssyncadd.s32 $0xFFFFFF80  }
0xc: {  	[tilespmem:s6], [sflag:$0x1] =	stream.indirect.gather [hbm4b:s5+s6], $0x320, s2, s6, $0xb8;
	[tilespmem:$0x19080] =	vst v63  }
0xd: {  	p0 =	sne.s32 s9, $0x1;
	_ =	swait.ge [sflag:s7], $0x19000  }
.Ltmp0:
0xe: {  	[sflag:s7] =	ssyncset.done $0x0;
	(pc) =	sbr.rel @!p0 .LBB2_2-.Ltmp0, $4  }
0xf: {  	s8 =	sadd.s32 $0x622200, s8;
	[sflag:s7] =	ssyncadd.s32 $0xFFFE7000  }
0x10: {  	[hbm4b:s8+s2] =	stream.linear.scatter [tilespmem:s6], [sflag:$0x2], $0x19000, $0x38;
	[tilespmem:$0x19080] =	vst v63  }
0x11: {  	_ =	swait.ge [sflag:s3], $0x19000  }
0x12: {  	s9 =	sadd.s32 $0xFFFFFFFF, s9;
	[sflag:s3] =	ssyncset.done $0x0  }
.LBB2_1:
0x13: {  	p0 =	sne.s32 s9, $0x1;
	s9 =	sadd.s32 $0xFFFFFFFF, s9;
	[sflag:s3] =	ssyncadd.s32 $0xFFFE7000  }
0x14: {  	[tilespmem:s2], [sflag:$0x2] =	stream.linear.gather [hbm4b:s4+s2], $0x80, $0x38;
	[tilespmem:$0x19080] =	vst v63  }
0x15: {  	_ =	swait.ge [sflag:s3], $0x80  }
0x16: {  	[sflag:s3] =	ssyncset.done $0x0  }
0x17: {  	[sflag:s3] =	ssyncadd.s32 $0xFFFFFF80  }
0x18: {  	[tilespmem:s6], [sflag:$0x1] =	stream.indirect.gather [hbm4b:s5+s6], $0x320, s2, s6, $0xb8;
	[tilespmem:$0x19080] =	vst v63  }
0x19: {  	_ =	swait.ge [sflag:s7], $0x19000  }
.Ltmp1:
0x1a: {  	[sflag:s7] =	ssyncset.done $0x0;
	(pc) =	sbr.rel @p0 .LBB2_1-.Ltmp1, $4  }
0x1b: {  	[sflag:s7] =	ssyncadd.s32 $0xFFFE7000  }
0x1c: {  	[hbm4b:s8+s2] =	stream.linear.scatter [tilespmem:s6], [sflag:$0x2], $0x19000, $0x38;
	[tilespmem:$0x19080] =	vst v63  }
0x1d: {  	_ =	swait.ge [sflag:s3], $0x19000  }
0x1e: {  	[sflag:s3] =	ssyncset.done $0x0  }
.LBB2_2:
0x1f: {  	[sflag:s3] =	ssyncadd.s32 $0xFFFE7000  }
0x20: {  	_ =	sfence.sel $0x180000  }
0x21: {  	[bflag:$0x0] =	sbarrier.arrive $0xFFFF  }
0x22: {  	p0 =	sne.s32 s0, $0x0;
	_ =	strace $0x90000047  }
0x23: {  	s0 =	sadd.s32 @!p0 $0x100000, s1;
	[bflag:$0x2] =	sbarrier.arrive $0xFFFF  }
0x24: {  	[sflag:s0] =	ssyncadd.tile.s32 @!p0 $0x1;
	_ =	shalt  }
.Lfunc_end2:
_tile_overlayer_lowered:
.L_overlay_start_2:
0x25: {  	(tag) =	ssettag $0x2  }
0x26: {  	s0 =	rddreg [dreg:$0x0];
	s2 =	stileid.u32  }
0x27: {  	s1 =	rddreg [dreg:$0x1];
	p0 =	sne.s32 s2, $0x0  }
0x28: {  	s3 =	rddreg [dreg:$0x2];
	[bflag:$0x3] =	sbarrier.arrive $0xFFFF;
	s2 =	simm.s32 @!p0 $0x1C02  }
0x29: {  	[timem:s3], [sflag:s2] =	dma.local @!p0 [hbm:s0], s1  }
0x2a: {  	s0 =	simm.s32 @!p0 $0x2  }
0x2b: {  	_ =	swait.ge @!p0 [sflag:s0], s1  }
0x2c: {  	s1 =	ssub.s32 @!p0 $0x0, s1;
	[sflag:s0] =	ssyncset.done @!p0 $0x0  }
0x2d: {  	[sflag:s0] =	ssyncadd.s32 @!p0 s1  }
0x2e: {  	[bflag:$0x3] =	sbarrier.arrive $0xFFFF  }
0x2f: {  	_ =	shalt  }

</sc_bundles>
